<compile_context>
chip_gen: v7x
topology: tpu7x:2x2x1
jax: 0.10.2.dev20260603
libtpu: 0.0.44.dev20260713+nightly
codegen_flags: <defaults>
</compile_context>

<pallas_src>
import functools

import jax
import jax.numpy as jnp
from jax import lax
from jax.experimental import pallas as pl
from jax.experimental.pallas import tpu as pltpu
from jax.experimental.pallas import tpu_sc as plsc

VOCAB = 64
EMBED = 16
B = 4
T = 8192
N = B * T
PAIRS = B * (T - 1)
IDPAD = 8

NC = 2
NS = 16
NW = NC * NS
TOK_W = N // NW
CHUNK = 128
LANES = 16

TBLK = 4096


def _tables_body(we_ref, wp_ref, b_ref, lt_ref, nll_ref):
    l_tab = (
        jnp.dot(we_ref[...], wp_ref[...], preferred_element_type=jnp.float32)
        + b_ref[...]
    )
    lt_ref[...] = l_tab.T
    m = jnp.max(l_tab, axis=1, keepdims=True)
    lse = jnp.log(jnp.sum(jnp.exp(l_tab - m), axis=1, keepdims=True)) + m
    nll_ref[...] = jnp.concatenate(
        [lse - l_tab, jnp.zeros((VOCAB, VOCAB), jnp.float32)], axis=1
    )


_tables = pl.pallas_call(
    _tables_body,
    out_shape=[
        jax.ShapeDtypeStruct((VOCAB, VOCAB), jnp.float32),
        jax.ShapeDtypeStruct((VOCAB, 2 * VOCAB), jnp.float32),
    ],
)


def _logits_body(ids_ref, lt_ref, out_ref):
    for b in range(B):
        onehot_t = jnp.where(
            lax.broadcasted_iota(jnp.int32, (VOCAB, TBLK), 0)
            == ids_ref[b][None, :],
            1.0,
            0.0,
        )
        out_ref[b] = lax.dot_general(
            lt_ref[...],
            onehot_t,
            (((1,), (0,)), ((), ())),
            preferred_element_type=jnp.float32,
            precision=lax.Precision.HIGHEST,
        )


_logits = pl.pallas_call(
    _logits_body,
    grid=(T // TBLK,),
    in_specs=[
        pl.BlockSpec((B, TBLK), lambda t: (0, t)),
        pl.BlockSpec((VOCAB, VOCAB), lambda t: (0, 0)),
    ],
    out_specs=pl.BlockSpec((B, VOCAB, TBLK), lambda t: (0, 0, t)),
    out_shape=jax.ShapeDtypeStruct((B, VOCAB, T), jnp.float32),
)


_mesh = plsc.VectorSubcoreMesh(core_axis_name="c", subcore_axis_name="s")


@functools.partial(
    pl.kernel,
    mesh=_mesh,
    out_type=jax.ShapeDtypeStruct((NC, LANES), jnp.float32),
    scratch_types=[
        pltpu.VMEM((TOK_W + IDPAD,), jnp.int32),
        pltpu.VMEM((TOK_W,), jnp.int32),
        pltpu.VMEM((TOK_W,), jnp.float32),
        pltpu.VMEM((LANES,), jnp.float32),
        pltpu.VMEM((NS * LANES,), jnp.float32),
        pltpu.VMEM_SHARED((NS * LANES,), jnp.float32),
        pltpu.SemaphoreType.DMA,
    ],
)
def _sc_loss(ids_hbm, nll_hbm, loss_hbm,
             ids_v, p_v, vals_v, stage_v, part_v, part_sh, lsem):
    cid = lax.axis_index("c")
    sid = lax.axis_index("s")
    wid = sid * NC + cid
    tbase = wid * TOK_W

    pltpu.sync_copy(ids_hbm.at[pl.ds(tbase, TOK_W + IDPAD)], ids_v)

    def ibody(i, carry):
        c = ids_v[pl.ds(i * LANES, LANES)]
        n = ids_v[pl.ds(i * LANES + 1, LANES)]
        p_v[pl.ds(i * LANES, LANES)] = c * (2 * VOCAB) + n
        return carry

    lax.fori_loop(0, TOK_W // LANES, ibody, 0)

    lhandles = []
    for j in range(TOK_W // CHUNK):
        lhandles.append(
            pltpu.async_copy(
                nll_hbm.at[p_v.at[pl.ds(j * CHUNK, CHUNK)]],
                vals_v.at[pl.ds(j * CHUNK, CHUNK)],
                lsem,
            )
        )
    for h in lhandles:
        h.wait()

    def abody(i, acc):
        t = tbase + i * LANES + lax.iota(jnp.int32, LANES)
        vals = vals_v[pl.ds(i * LANES, LANES)]
        return acc + jnp.where((t & (T - 1)) != (T - 1), vals, 0.0)

    acc = lax.fori_loop(
        0, TOK_W // LANES, abody, jnp.zeros((LANES,), jnp.float32)
    )
    stage_v[...] = acc
    pltpu.sync_copy(stage_v, part_sh.at[pl.ds(sid * LANES, LANES)])

    plsc.subcore_barrier()

    @pl.when(sid == 0)
    def _loss_core_sum():
        pltpu.sync_copy(part_sh, part_v)

        def body(i, acc):
            return acc + part_v[pl.ds(i * LANES, LANES)]

        tot = lax.fori_loop(0, NS, body, jnp.zeros((LANES,), jnp.float32))
        total = tot[0]
        for i in range(1, LANES):
            total = total + tot[i]
        stage_v[...] = jnp.zeros((LANES,), jnp.float32) + total * (1.0 / PAIRS)
        pltpu.sync_copy(stage_v, loss_hbm.at[cid])


def kernel(input_ids, W_embed, W_proj, b_proj):
    ids = input_ids.astype(jnp.int32)
    lt_tab, nll_tab = _tables(W_embed, W_proj, b_proj.reshape(1, VOCAB))

    ids_flat = jnp.concatenate([ids.reshape(-1), jnp.zeros((IDPAD,), jnp.int32)])
    loss2 = _sc_loss(ids_flat, nll_tab.reshape(-1))
    logits_vt = _logits(ids, lt_tab)
    return loss2[0, 0] + loss2[1, 0], jnp.swapaxes(logits_vt, 1, 2)

# --- scband reference (transcript-rebuilt; emitter-appended) ---
"""Pipeline reference for scband-mock-lmmodel-65687229825751 (READ-ONLY COPY).

The authoritative reference and input builder live on the scoring server;
editing this copy changes nothing except your own understanding.
"""

import jax, jax.numpy as jnp
import numpy as np

VOCAB = 64
EMBED = 16
B = 4
T = 8192


def setup_inputs(seed: int = 0) -> dict:
    key = jax.random.key(seed)
    k1, k2, k3 = jax.random.split(key, 3)
    input_ids = jax.random.randint(k1, (B, T), 0, VOCAB)
    W_embed = jax.random.normal(k2, (VOCAB, EMBED), dtype=jnp.float32)
    # Linear(16, 64): weight [64, 16] in torch; store transposed [16, 64] for x @ W
    W_proj = jax.random.normal(k3, (EMBED, VOCAB), dtype=jnp.float32) * (1.0 / np.sqrt(EMBED))
    b_proj = jnp.zeros((VOCAB,), dtype=jnp.float32)
    return {"input_ids": input_ids, "W_embed": W_embed, "W_proj": W_proj, "b_proj": b_proj}


def reference(input_ids, W_embed, W_proj, b_proj):
    # embedding lookup (gather)
    emb = jnp.take(W_embed, input_ids, axis=0)            # [B, T, EMBED]
    logits = emb @ W_proj + b_proj                         # [B, T, VOCAB]
    # cross entropy on shifted tokens
    V = logits.shape[-1]
    shift_logits = logits[:, :-1, :].reshape(-1, V)        # [B*(T-1), V]
    shift_targets = input_ids[:, 1:].reshape(-1)           # [B*(T-1)]
    log_probs = jax.nn.log_softmax(shift_logits, axis=-1)
    nll = -jnp.take_along_axis(log_probs, shift_targets[:, None], axis=1)[:, 0]
    loss = jnp.mean(nll)
    return (loss, logits)

if __name__ == "__main__":
    import jax
    _d = setup_inputs()
    print(jax.jit(kernel)(*tuple(_d.values())))

</pallas_src>

<mosaic_0001>
#map = affine_map<(d0, d1) -> (0)>
#map1 = affine_map<(d0, d1) -> (0, 0)>
module attributes {stable_mosaic.version = 14 : i64} {
  func.func @_sc_loss(%arg0: i32, %arg1: i32, %arg2: memref<32776xi32, #tpu.memory_space<hbm>>, %arg3: memref<8192xf32, #tpu.memory_space<hbm>>, %arg4: memref<2x16xf32, #tpu.memory_space<hbm>>, %arg5: memref<1032xi32, #tpu.memory_space<vmem>>, %arg6: memref<1024xi32, #tpu.memory_space<vmem>>, %arg7: memref<1024xf32, #tpu.memory_space<vmem>>, %arg8: memref<16xf32, #tpu.memory_space<vmem>>, %arg9: memref<256xf32, #tpu.memory_space<vmem>>, %arg10: memref<256xf32, #tpu.memory_space<vmem_shared>>, %arg11: memref<!tpu.dma_semaphore, #tpu.memory_space<semaphore_mem>>) attributes {dimension_semantics = [#tpu.dimension_semantics<core_parallel>, #tpu.dimension_semantics<subcore_parallel>], iteration_bounds = array<i64: 2, 16>, scalar_prefetch = 0 : i64, scratch_operands = 7 : i64, tpu.core_type = #tpu.core_type<sc_vector_subcore>, window_params = [{transform_indices = #map}, {transform_indices = #map}, {transform_indices = #map1}]} {
    %mul3A = arith.constant 2 : i32
    %mul3A_0 = arith.muli %arg1, %mul3A : i32
    %add3A = arith.addi %mul3A_0, %arg0 : i32
    %mul3A_1 = arith.constant 1024 : i32
    %mul3A_2 = arith.muli %add3A, %mul3A_1 : i32
    "tpu.region"() ({
      %run_scoped3A = tpu.sem_alloc : memref<!tpu.dma_semaphore, #tpu.memory_space<semaphore_mem>>
      %dma_start3A_116 = tpu.memref_slice %arg2[%mul3A_2] : memref<32776xi32, #tpu.memory_space<hbm>> -> memref<1032xi32, #tpu.memory_space<hbm>>
      %dma_start3A_117 = tpu.memref_slice %arg2[%mul3A_2] : memref<32776xi32, #tpu.memory_space<hbm>> -> memref<1032xi32, #tpu.memory_space<hbm>>
      tpu.enqueue_dma source(%dma_start3A_117 : memref<1032xi32, #tpu.memory_space<hbm>>) target(%arg5 : memref<1032xi32, #tpu.memory_space<vmem>>) target_semaphore(%run_scoped3A : memref<!tpu.dma_semaphore, #tpu.memory_space<semaphore_mem>>)
      %dma_wait3A_118 = tpu.memref_slice %arg2[%mul3A_2] : memref<32776xi32, #tpu.memory_space<hbm>> -> memref<1032xi32, #tpu.memory_space<hbm>>
      %dma_wait3A_119 = tpu.memref_slice %arg2[%mul3A_2] : memref<32776xi32, #tpu.memory_space<hbm>> -> memref<1032xi32, #tpu.memory_space<hbm>>
      tpu.wait_dma2 semaphore(%run_scoped3A : memref<!tpu.dma_semaphore, #tpu.memory_space<semaphore_mem>>) src(%dma_wait3A_119 : memref<1032xi32, #tpu.memory_space<hbm>>) dst(%arg5 : memref<1032xi32, #tpu.memory_space<vmem>>)
      tpu.yield
    }) : () -> ()
    %scan3A = arith.constant 0 : i32
    %scan3A_3 = arith.constant 0 : i32
    %scan3A_4 = arith.constant 64 : i32
    %scan3A_5 = arith.addi %scan3A_3, %scan3A_4 : i32
    %scan3A_6 = arith.constant 1 : i32
    scf.for %scan3A_116 = %scan3A_3 to %scan3A_5 step %scan3A_6  : i32 {
      %mul3A_117 = arith.constant 16 : i32
      %mul3A_118 = arith.muli %scan3A_116, %mul3A_117 : i32
      %get3A = arith.index_cast %mul3A_118 : i32 to index
      %get3A_119 = tpu.vector_load %arg5[%get3A] {strides = array<i32>} : memref<1032xi32, #tpu.memory_space<vmem>>, vector<16xi32>,
      %get3A_120 = vector.shape_cast %get3A_119 : vector<16xi32> to vector<16xi32>
      %mul3A_121 = arith.constant 16 : i32
      %mul3A_122 = arith.muli %scan3A_116, %mul3A_121 : i32
      %add3A_123 = arith.constant 1 : i32
      %add3A_124 = arith.addi %mul3A_122, %add3A_123 : i32
      %get3A_125 = arith.index_cast %add3A_124 : i32 to index
      %get3A_126 = tpu.vector_load %arg5[%get3A_125] {strides = array<i32>} : memref<1032xi32, #tpu.memory_space<vmem>>, vector<16xi32>,
      %get3A_127 = vector.shape_cast %get3A_126 : vector<16xi32> to vector<16xi32>
      %mul3A_128 = arith.constant 128 : i32
      %mul3A_129 = vector.broadcast %mul3A_128 : i32 to vector<16xi32>
      %mul3A_130 = arith.muli %get3A_120, %mul3A_129 : vector<16xi32>
      %add3A_131 = arith.addi %mul3A_130, %get3A_127 : vector<16xi32>
      %mul3A_132 = arith.constant 16 : i32
      %mul3A_133 = arith.muli %scan3A_116, %mul3A_132 : i32
      %swap3A_134 = arith.index_cast %mul3A_133 : i32 to index
      %swap3A_135 = tpu.vector_load %arg6[%swap3A_134] {strides = array<i32>} : memref<1024xi32, #tpu.memory_space<vmem>>, vector<16xi32>,
      %swap3A_136 = vector.shape_cast %swap3A_135 : vector<16xi32> to vector<16xi32>
      %swap3A_137 = vector.shape_cast %add3A_131 : vector<16xi32> to vector<16xi32>
      tpu.vector_store %arg6[%swap3A_134], %swap3A_137 {strides = array<i32>} : memref<1024xi32, #tpu.memory_space<vmem>>, vector<16xi32>,
    }
    %scan3A_7 = arith.constant 64 : i32
    %dma_start3A = arith.constant 0 : i32
    %dma_start3A_8 = tpu.memref_slice %arg7[%dma_start3A] : memref<1024xf32, #tpu.memory_space<vmem>> -> memref<128xf32, #tpu.memory_space<vmem>>
    %dma_start3A_9 = arith.constant 0 : i32
    %dma_start3A_10 = tpu.memref_slice %arg6[%dma_start3A_9] : memref<1024xi32, #tpu.memory_space<vmem>> -> memref<128xi32, #tpu.memory_space<vmem>>
    %dma_start3A_11 = arith.constant 0 : i32
    %dma_start3A_12 = tpu.memref_slice %arg3[%dma_start3A_11] : memref<8192xf32, #tpu.memory_space<hbm>> -> memref<8192xf32, #tpu.memory_space<hbm>>
    tpu.enqueue_indirect_dma source(%dma_start3A_12 : memref<8192xf32, #tpu.memory_space<hbm>>) target(%dma_start3A_8 : memref<128xf32, #tpu.memory_space<vmem>>) offsets(%dma_start3A_10 : memref<128xi32, #tpu.memory_space<vmem>>) semaphore(%arg11 : memref<!tpu.dma_semaphore, #tpu.memory_space<semaphore_mem>>)
    %dma_start3A_13 = arith.constant 128 : i32
    %dma_start3A_14 = tpu.memref_slice %arg7[%dma_start3A_13] : memref<1024xf32, #tpu.memory_space<vmem>> -> memref<128xf32, #tpu.memory_space<vmem>>
    %dma_start3A_15 = arith.constant 128 : i32
    %dma_start3A_16 = tpu.memref_slice %arg6[%dma_start3A_15] : memref<1024xi32, #tpu.memory_space<vmem>> -> memref<128xi32, #tpu.memory_space<vmem>>
    %dma_start3A_17 = arith.constant 0 : i32
    %dma_start3A_18 = tpu.memref_slice %arg3[%dma_start3A_17] : memref<8192xf32, #tpu.memory_space<hbm>> -> memref<8192xf32, #tpu.memory_space<hbm>>
    tpu.enqueue_indirect_dma source(%dma_start3A_18 : memref<8192xf32, #tpu.memory_space<hbm>>) target(%dma_start3A_14 : memref<128xf32, #tpu.memory_space<vmem>>) offsets(%dma_start3A_16 : memref<128xi32, #tpu.memory_space<vmem>>) semaphore(%arg11 : memref<!tpu.dma_semaphore, #tpu.memory_space<semaphore_mem>>)
    %dma_start3A_19 = arith.constant 256 : i32
    %dma_start3A_20 = tpu.memref_slice %arg7[%dma_start3A_19] : memref<1024xf32, #tpu.memory_space<vmem>> -> memref<128xf32, #tpu.memory_space<vmem>>
    %dma_start3A_21 = arith.constant 256 : i32
    %dma_start3A_22 = tpu.memref_slice %arg6[%dma_start3A_21] : memref<1024xi32, #tpu.memory_space<vmem>> -> memref<128xi32, #tpu.memory_space<vmem>>
    %dma_start3A_23 = arith.constant 0 : i32
    %dma_start3A_24 = tpu.memref_slice %arg3[%dma_start3A_23] : memref<8192xf32, #tpu.memory_space<hbm>> -> memref<8192xf32, #tpu.memory_space<hbm>>
    tpu.enqueue_indirect_dma source(%dma_start3A_24 : memref<8192xf32, #tpu.memory_space<hbm>>) target(%dma_start3A_20 : memref<128xf32, #tpu.memory_space<vmem>>) offsets(%dma_start3A_22 : memref<128xi32, #tpu.memory_space<vmem>>) semaphore(%arg11 : memref<!tpu.dma_semaphore, #tpu.memory_space<semaphore_mem>>)
    %dma_start3A_25 = arith.constant 384 : i32
    %dma_start3A_26 = tpu.memref_slice %arg7[%dma_start3A_25] : memref<1024xf32, #tpu.memory_space<vmem>> -> memref<128xf32, #tpu.memory_space<vmem>>
    %dma_start3A_27 = arith.constant 384 : i32
    %dma_start3A_28 = tpu.memref_slice %arg6[%dma_start3A_27] : memref<1024xi32, #tpu.memory_space<vmem>> -> memref<128xi32, #tpu.memory_space<vmem>>
    %dma_start3A_29 = arith.constant 0 : i32
    %dma_start3A_30 = tpu.memref_slice %arg3[%dma_start3A_29] : memref<8192xf32, #tpu.memory_space<hbm>> -> memref<8192xf32, #tpu.memory_space<hbm>>
    tpu.enqueue_indirect_dma source(%dma_start3A_30 : memref<8192xf32, #tpu.memory_space<hbm>>) target(%dma_start3A_26 : memref<128xf32, #tpu.memory_space<vmem>>) offsets(%dma_start3A_28 : memref<128xi32, #tpu.memory_space<vmem>>) semaphore(%arg11 : memref<!tpu.dma_semaphore, #tpu.memory_space<semaphore_mem>>)
    %dma_start3A_31 = arith.constant 512 : i32
    %dma_start3A_32 = tpu.memref_slice %arg7[%dma_start3A_31] : memref<1024xf32, #tpu.memory_space<vmem>> -> memref<128xf32, #tpu.memory_space<vmem>>
    %dma_start3A_33 = arith.constant 512 : i32
    %dma_start3A_34 = tpu.memref_slice %arg6[%dma_start3A_33] : memref<1024xi32, #tpu.memory_space<vmem>> -> memref<128xi32, #tpu.memory_space<vmem>>
    %dma_start3A_35 = arith.constant 0 : i32
    %dma_start3A_36 = tpu.memref_slice %arg3[%dma_start3A_35] : memref<8192xf32, #tpu.memory_space<hbm>> -> memref<8192xf32, #tpu.memory_space<hbm>>
    tpu.enqueue_indirect_dma source(%dma_start3A_36 : memref<8192xf32, #tpu.memory_space<hbm>>) target(%dma_start3A_32 : memref<128xf32, #tpu.memory_space<vmem>>) offsets(%dma_start3A_34 : memref<128xi32, #tpu.memory_space<vmem>>) semaphore(%arg11 : memref<!tpu.dma_semaphore, #tpu.memory_space<semaphore_mem>>)
    %dma_start3A_37 = arith.constant 640 : i32
    %dma_start3A_38 = tpu.memref_slice %arg7[%dma_start3A_37] : memref<1024xf32, #tpu.memory_space<vmem>> -> memref<128xf32, #tpu.memory_space<vmem>>
    %dma_start3A_39 = arith.constant 640 : i32
    %dma_start3A_40 = tpu.memref_slice %arg6[%dma_start3A_39] : memref<1024xi32, #tpu.memory_space<vmem>> -> memref<128xi32, #tpu.memory_space<vmem>>
    %dma_start3A_41 = arith.constant 0 : i32
    %dma_start3A_42 = tpu.memref_slice %arg3[%dma_start3A_41] : memref<8192xf32, #tpu.memory_space<hbm>> -> memref<8192xf32, #tpu.memory_space<hbm>>
    tpu.enqueue_indirect_dma source(%dma_start3A_42 : memref<8192xf32, #tpu.memory_space<hbm>>) target(%dma_start3A_38 : memref<128xf32, #tpu.memory_space<vmem>>) offsets(%dma_start3A_40 : memref<128xi32, #tpu.memory_space<vmem>>) semaphore(%arg11 : memref<!tpu.dma_semaphore, #tpu.memory_space<semaphore_mem>>)
    %dma_start3A_43 = arith.constant 768 : i32
    %dma_start3A_44 = tpu.memref_slice %arg7[%dma_start3A_43] : memref<1024xf32, #tpu.memory_space<vmem>> -> memref<128xf32, #tpu.memory_space<vmem>>
    %dma_start3A_45 = arith.constant 768 : i32
    %dma_start3A_46 = tpu.memref_slice %arg6[%dma_start3A_45] : memref<1024xi32, #tpu.memory_space<vmem>> -> memref<128xi32, #tpu.memory_space<vmem>>
    %dma_start3A_47 = arith.constant 0 : i32
    %dma_start3A_48 = tpu.memref_slice %arg3[%dma_start3A_47] : memref<8192xf32, #tpu.memory_space<hbm>> -> memref<8192xf32, #tpu.memory_space<hbm>>
    tpu.enqueue_indirect_dma source(%dma_start3A_48 : memref<8192xf32, #tpu.memory_space<hbm>>) target(%dma_start3A_44 : memref<128xf32, #tpu.memory_space<vmem>>) offsets(%dma_start3A_46 : memref<128xi32, #tpu.memory_space<vmem>>) semaphore(%arg11 : memref<!tpu.dma_semaphore, #tpu.memory_space<semaphore_mem>>)
    %dma_start3A_49 = arith.constant 896 : i32
    %dma_start3A_50 = tpu.memref_slice %arg7[%dma_start3A_49] : memref<1024xf32, #tpu.memory_space<vmem>> -> memref<128xf32, #tpu.memory_space<vmem>>
    %dma_start3A_51 = arith.constant 896 : i32
    %dma_start3A_52 = tpu.memref_slice %arg6[%dma_start3A_51] : memref<1024xi32, #tpu.memory_space<vmem>> -> memref<128xi32, #tpu.memory_space<vmem>>
    %dma_start3A_53 = arith.constant 0 : i32
    %dma_start3A_54 = tpu.memref_slice %arg3[%dma_start3A_53] : memref<8192xf32, #tpu.memory_space<hbm>> -> memref<8192xf32, #tpu.memory_space<hbm>>
    tpu.enqueue_indirect_dma source(%dma_start3A_54 : memref<8192xf32, #tpu.memory_space<hbm>>) target(%dma_start3A_50 : memref<128xf32, #tpu.memory_space<vmem>>) offsets(%dma_start3A_52 : memref<128xi32, #tpu.memory_space<vmem>>) semaphore(%arg11 : memref<!tpu.dma_semaphore, #tpu.memory_space<semaphore_mem>>)
    %dma_wait3A = arith.constant 0 : i32
    %dma_wait3A_55 = tpu.memref_slice %arg7[%dma_wait3A] : memref<1024xf32, #tpu.memory_space<vmem>> -> memref<128xf32, #tpu.memory_space<vmem>>
    %dma_wait3A_56 = arith.constant 0 : i32
    %dma_wait3A_57 = tpu.memref_slice %arg6[%dma_wait3A_56] : memref<1024xi32, #tpu.memory_space<vmem>> -> memref<128xi32, #tpu.memory_space<vmem>>
    %dma_wait3A_58 = arith.constant 0 : i32
    %dma_wait3A_59 = tpu.memref_slice %arg3[%dma_wait3A_58] : memref<8192xf32, #tpu.memory_space<hbm>> -> memref<8192xf32, #tpu.memory_space<hbm>>
    tpu.wait_indirect_dma semaphore(%arg11 : memref<!tpu.dma_semaphore, #tpu.memory_space<semaphore_mem>>) src(%dma_wait3A_59 : memref<8192xf32, #tpu.memory_space<hbm>>) dst(%dma_wait3A_55 : memref<128xf32, #tpu.memory_space<vmem>>)
    %dma_wait3A_60 = arith.constant 128 : i32
    %dma_wait3A_61 = tpu.memref_slice %arg7[%dma_wait3A_60] : memref<1024xf32, #tpu.memory_space<vmem>> -> memref<128xf32, #tpu.memory_space<vmem>>
    %dma_wait3A_62 = arith.constant 128 : i32
    %dma_wait3A_63 = tpu.memref_slice %arg6[%dma_wait3A_62] : memref<1024xi32, #tpu.memory_space<vmem>> -> memref<128xi32, #tpu.memory_space<vmem>>
    %dma_wait3A_64 = arith.constant 0 : i32
    %dma_wait3A_65 = tpu.memref_slice %arg3[%dma_wait3A_64] : memref<8192xf32, #tpu.memory_space<hbm>> -> memref<8192xf32, #tpu.memory_space<hbm>>
    tpu.wait_indirect_dma semaphore(%arg11 : memref<!tpu.dma_semaphore, #tpu.memory_space<semaphore_mem>>) src(%dma_wait3A_65 : memref<8192xf32, #tpu.memory_space<hbm>>) dst(%dma_wait3A_61 : memref<128xf32, #tpu.memory_space<vmem>>)
    %dma_wait3A_66 = arith.constant 256 : i32
    %dma_wait3A_67 = tpu.memref_slice %arg7[%dma_wait3A_66] : memref<1024xf32, #tpu.memory_space<vmem>> -> memref<128xf32, #tpu.memory_space<vmem>>
    %dma_wait3A_68 = arith.constant 256 : i32
    %dma_wait3A_69 = tpu.memref_slice %arg6[%dma_wait3A_68] : memref<1024xi32, #tpu.memory_space<vmem>> -> memref<128xi32, #tpu.memory_space<vmem>>
    %dma_wait3A_70 = arith.constant 0 : i32
    %dma_wait3A_71 = tpu.memref_slice %arg3[%dma_wait3A_70] : memref<8192xf32, #tpu.memory_space<hbm>> -> memref<8192xf32, #tpu.memory_space<hbm>>
    tpu.wait_indirect_dma semaphore(%arg11 : memref<!tpu.dma_semaphore, #tpu.memory_space<semaphore_mem>>) src(%dma_wait3A_71 : memref<8192xf32, #tpu.memory_space<hbm>>) dst(%dma_wait3A_67 : memref<128xf32, #tpu.memory_space<vmem>>)
    %dma_wait3A_72 = arith.constant 384 : i32
    %dma_wait3A_73 = tpu.memref_slice %arg7[%dma_wait3A_72] : memref<1024xf32, #tpu.memory_space<vmem>> -> memref<128xf32, #tpu.memory_space<vmem>>
    %dma_wait3A_74 = arith.constant 384 : i32
    %dma_wait3A_75 = tpu.memref_slice %arg6[%dma_wait3A_74] : memref<1024xi32, #tpu.memory_space<vmem>> -> memref<128xi32, #tpu.memory_space<vmem>>
    %dma_wait3A_76 = arith.constant 0 : i32
    %dma_wait3A_77 = tpu.memref_slice %arg3[%dma_wait3A_76] : memref<8192xf32, #tpu.memory_space<hbm>> -> memref<8192xf32, #tpu.memory_space<hbm>>
    tpu.wait_indirect_dma semaphore(%arg11 : memref<!tpu.dma_semaphore, #tpu.memory_space<semaphore_mem>>) src(%dma_wait3A_77 : memref<8192xf32, #tpu.memory_space<hbm>>) dst(%dma_wait3A_73 : memref<128xf32, #tpu.memory_space<vmem>>)
    %dma_wait3A_78 = arith.constant 512 : i32
    %dma_wait3A_79 = tpu.memref_slice %arg7[%dma_wait3A_78] : memref<1024xf32, #tpu.memory_space<vmem>> -> memref<128xf32, #tpu.memory_space<vmem>>
    %dma_wait3A_80 = arith.constant 512 : i32
    %dma_wait3A_81 = tpu.memref_slice %arg6[%dma_wait3A_80] : memref<1024xi32, #tpu.memory_space<vmem>> -> memref<128xi32, #tpu.memory_space<vmem>>
    %dma_wait3A_82 = arith.constant 0 : i32
    %dma_wait3A_83 = tpu.memref_slice %arg3[%dma_wait3A_82] : memref<8192xf32, #tpu.memory_space<hbm>> -> memref<8192xf32, #tpu.memory_space<hbm>>
    tpu.wait_indirect_dma semaphore(%arg11 : memref<!tpu.dma_semaphore, #tpu.memory_space<semaphore_mem>>) src(%dma_wait3A_83 : memref<8192xf32, #tpu.memory_space<hbm>>) dst(%dma_wait3A_79 : memref<128xf32, #tpu.memory_space<vmem>>)
    %dma_wait3A_84 = arith.constant 640 : i32
    %dma_wait3A_85 = tpu.memref_slice %arg7[%dma_wait3A_84] : memref<1024xf32, #tpu.memory_space<vmem>> -> memref<128xf32, #tpu.memory_space<vmem>>
    %dma_wait3A_86 = arith.constant 640 : i32
    %dma_wait3A_87 = tpu.memref_slice %arg6[%dma_wait3A_86] : memref<1024xi32, #tpu.memory_space<vmem>> -> memref<128xi32, #tpu.memory_space<vmem>>
    %dma_wait3A_88 = arith.constant 0 : i32
    %dma_wait3A_89 = tpu.memref_slice %arg3[%dma_wait3A_88] : memref<8192xf32, #tpu.memory_space<hbm>> -> memref<8192xf32, #tpu.memory_space<hbm>>
    tpu.wait_indirect_dma semaphore(%arg11 : memref<!tpu.dma_semaphore, #tpu.memory_space<semaphore_mem>>) src(%dma_wait3A_89 : memref<8192xf32, #tpu.memory_space<hbm>>) dst(%dma_wait3A_85 : memref<128xf32, #tpu.memory_space<vmem>>)
    %dma_wait3A_90 = arith.constant 768 : i32
    %dma_wait3A_91 = tpu.memref_slice %arg7[%dma_wait3A_90] : memref<1024xf32, #tpu.memory_space<vmem>> -> memref<128xf32, #tpu.memory_space<vmem>>
    %dma_wait3A_92 = arith.constant 768 : i32
    %dma_wait3A_93 = tpu.memref_slice %arg6[%dma_wait3A_92] : memref<1024xi32, #tpu.memory_space<vmem>> -> memref<128xi32, #tpu.memory_space<vmem>>
    %dma_wait3A_94 = arith.constant 0 : i32
    %dma_wait3A_95 = tpu.memref_slice %arg3[%dma_wait3A_94] : memref<8192xf32, #tpu.memory_space<hbm>> -> memref<8192xf32, #tpu.memory_space<hbm>>
    tpu.wait_indirect_dma semaphore(%arg11 : memref<!tpu.dma_semaphore, #tpu.memory_space<semaphore_mem>>) src(%dma_wait3A_95 : memref<8192xf32, #tpu.memory_space<hbm>>) dst(%dma_wait3A_91 : memref<128xf32, #tpu.memory_space<vmem>>)
    %dma_wait3A_96 = arith.constant 896 : i32
    %dma_wait3A_97 = tpu.memref_slice %arg7[%dma_wait3A_96] : memref<1024xf32, #tpu.memory_space<vmem>> -> memref<128xf32, #tpu.memory_space<vmem>>
    %dma_wait3A_98 = arith.constant 896 : i32
    %dma_wait3A_99 = tpu.memref_slice %arg6[%dma_wait3A_98] : memref<1024xi32, #tpu.memory_space<vmem>> -> memref<128xi32, #tpu.memory_space<vmem>>
    %dma_wait3A_100 = arith.constant 0 : i32
    %dma_wait3A_101 = tpu.memref_slice %arg3[%dma_wait3A_100] : memref<8192xf32, #tpu.memory_space<hbm>> -> memref<8192xf32, #tpu.memory_space<hbm>>
    tpu.wait_indirect_dma semaphore(%arg11 : memref<!tpu.dma_semaphore, #tpu.memory_space<semaphore_mem>>) src(%dma_wait3A_101 : memref<8192xf32, #tpu.memory_space<hbm>>) dst(%dma_wait3A_97 : memref<128xf32, #tpu.memory_space<vmem>>)
    %broadcast_in_dim3A = arith.constant 0.000000e+00 : f32
    %broadcast_in_dim3A_102 = vector.broadcast %broadcast_in_dim3A : f32 to vector<16xf32>
    %scan3A_103 = arith.constant 0 : i32
    %scan3A_104 = arith.constant 64 : i32
    %scan3A_105 = arith.addi %scan3A_103, %scan3A_104 : i32
    %scan3A_106 = arith.constant 1 : i32
    %scan3A_107 = scf.for %scan3A_116 = %scan3A_103 to %scan3A_105 step %scan3A_106 iter_args(%scan3A_117 = %broadcast_in_dim3A_102) -> (vector<16xf32>)  : i32 {
      %mul3A_118 = arith.constant 16 : i32
      %mul3A_119 = arith.muli %scan3A_116, %mul3A_118 : i32
      %add3A_120 = arith.addi %mul3A_2, %mul3A_119 : i32
      %iota3A = tpu.iota {dimensions = array<i32: 0>} : vector<16xi32>
      %add3A_121 = vector.broadcast %add3A_120 : i32 to vector<16xi32>
      %add3A_122 = arith.addi %add3A_121, %iota3A : vector<16xi32>
      %mul3A_123 = arith.constant 16 : i32
      %mul3A_124 = arith.muli %scan3A_116, %mul3A_123 : i32
      %get3A = arith.index_cast %mul3A_124 : i32 to index
      %get3A_125 = tpu.vector_load %arg7[%get3A] {strides = array<i32>} : memref<1024xf32, #tpu.memory_space<vmem>>, vector<16xf32>,
      %get3A_126 = vector.shape_cast %get3A_125 : vector<16xf32> to vector<16xf32>
      %and3A = arith.constant 8191 : i32
      %and3A_127 = vector.broadcast %and3A : i32 to vector<16xi32>
      %and3A_128 = arith.andi %add3A_122, %and3A_127 : vector<16xi32>
      %ne3A = arith.constant 8191 : i32
      %ne3A_129 = vector.broadcast %ne3A : i32 to vector<16xi32>
      %ne3A_130 = arith.cmpi ne, %and3A_128, %ne3A_129 : vector<16xi32>
      %jit3A = arith.constant 0.000000e+00 : f32
      %broadcast_in_dim3A_131 = vector.broadcast %jit3A : f32 to vector<16xf32>
      %select_n3A = arith.select %ne3A_130, %get3A_126, %broadcast_in_dim3A_131 : vector<16xi1>, vector<16xf32>
      %add3A_132 = arith.addf %scan3A_117, %select_n3A : vector<16xf32>
      scf.yield %add3A_132 : vector<16xf32>
    }
    %scan3A_108 = arith.constant 64 : i32
    %swap3A = arith.constant 0 : index
    %swap3A_109 = tpu.vector_load %arg8[%swap3A] {strides = array<i32>} : memref<16xf32, #tpu.memory_space<vmem>>, vector<16xf32>,
    %swap3A_110 = vector.shape_cast %swap3A_109 : vector<16xf32> to vector<16xf32>
    %swap3A_111 = vector.shape_cast %scan3A_107 : vector<16xf32> to vector<16xf32>
    tpu.vector_store %arg8[%swap3A], %swap3A_111 {strides = array<i32>} : memref<16xf32, #tpu.memory_space<vmem>>, vector<16xf32>,
    %mul3A_112 = arith.constant 16 : i32
    %mul3A_113 = arith.muli %arg1, %mul3A_112 : i32
    "tpu.region"() ({
      %run_scoped3A = tpu.sem_alloc : memref<!tpu.dma_semaphore, #tpu.memory_space<semaphore_mem>>
      %dma_start3A_116 = tpu.memref_slice %arg10[%mul3A_113] : memref<256xf32, #tpu.memory_space<vmem_shared>> -> memref<16xf32, #tpu.memory_space<vmem_shared>>
      %dma_start3A_117 = tpu.memref_slice %arg10[%mul3A_113] : memref<256xf32, #tpu.memory_space<vmem_shared>> -> memref<16xf32, #tpu.memory_space<vmem_shared>>
      tpu.enqueue_dma source(%arg8 : memref<16xf32, #tpu.memory_space<vmem>>) target(%dma_start3A_117 : memref<16xf32, #tpu.memory_space<vmem_shared>>) target_semaphore(%run_scoped3A : memref<!tpu.dma_semaphore, #tpu.memory_space<semaphore_mem>>)
      %dma_wait3A_118 = tpu.memref_slice %arg10[%mul3A_113] : memref<256xf32, #tpu.memory_space<vmem_shared>> -> memref<16xf32, #tpu.memory_space<vmem_shared>>
      %dma_wait3A_119 = tpu.memref_slice %arg10[%mul3A_113] : memref<256xf32, #tpu.memory_space<vmem_shared>> -> memref<16xf32, #tpu.memory_space<vmem_shared>>
      tpu.wait_dma2 semaphore(%run_scoped3A : memref<!tpu.dma_semaphore, #tpu.memory_space<semaphore_mem>>) src(%arg8 : memref<16xf32, #tpu.memory_space<vmem>>) dst(%dma_wait3A_119 : memref<16xf32, #tpu.memory_space<vmem_shared>>)
      tpu.yield
    }) : () -> ()
    %barrier3A = arith.constant 0 : index
    tpu.barrier barrier_id(%barrier3A)
    %eq3A = arith.constant 0 : i32
    %eq3A_114 = arith.cmpi eq, %arg1, %eq3A : i32
    %convert_element_type3A = arith.extui %eq3A_114 : i1 to i32
    %cond3A = arith.constant 0 : i32
    %cond3A_115 = arith.cmpi ne, %convert_element_type3A, %cond3A : i32
    scf.if %cond3A_115 {
      "tpu.region"() ({
        %run_scoped3A = tpu.sem_alloc : memref<!tpu.dma_semaphore, #tpu.memory_space<semaphore_mem>>
        tpu.enqueue_dma source(%arg10 : memref<256xf32, #tpu.memory_space<vmem_shared>>) target(%arg9 : memref<256xf32, #tpu.memory_space<vmem>>) target_semaphore(%run_scoped3A : memref<!tpu.dma_semaphore, #tpu.memory_space<semaphore_mem>>)
        tpu.wait_dma2 semaphore(%run_scoped3A : memref<!tpu.dma_semaphore, #tpu.memory_space<semaphore_mem>>) src(%arg10 : memref<256xf32, #tpu.memory_space<vmem_shared>>) dst(%arg9 : memref<256xf32, #tpu.memory_space<vmem>>)
        tpu.yield
      }) : () -> ()
      %broadcast_in_dim3A_116 = arith.constant 0.000000e+00 : f32
      %broadcast_in_dim3A_117 = vector.broadcast %broadcast_in_dim3A_116 : f32 to vector<16xf32>
      %scan3A_118 = arith.constant 0 : i32
      %scan3A_119 = arith.constant 16 : i32
      %scan3A_120 = arith.addi %scan3A_118, %scan3A_119 : i32
      %scan3A_121 = arith.constant 1 : i32
      %scan3A_122 = scf.for %scan3A_179 = %scan3A_118 to %scan3A_120 step %scan3A_121 iter_args(%scan3A_180 = %broadcast_in_dim3A_117) -> (vector<16xf32>)  : i32 {
        %mul3A_181 = arith.constant 16 : i32
        %mul3A_182 = arith.muli %scan3A_179, %mul3A_181 : i32
        %get3A = arith.index_cast %mul3A_182 : i32 to index
        %get3A_183 = tpu.vector_load %arg9[%get3A] {strides = array<i32>} : memref<256xf32, #tpu.memory_space<vmem>>, vector<16xf32>,
        %get3A_184 = vector.shape_cast %get3A_183 : vector<16xf32> to vector<16xf32>
        %add3A_185 = arith.addf %scan3A_180, %get3A_184 : vector<16xf32>
        scf.yield %add3A_185 : vector<16xf32>
      }
      %scan3A_123 = arith.constant 16 : i32
      %slice3A = vector.extract_strided_slice %scan3A_122 {offsets = [0], sizes = [1], strides = [1]} : vector<16xf32> to vector<1xf32>
      %squeeze3A = vector.extract %slice3A[0] : f32 from vector<1xf32>
      %slice3A_124 = vector.extract_strided_slice %scan3A_122 {offsets = [1], sizes = [1], strides = [1]} : vector<16xf32> to vector<1xf32>
      %squeeze3A_125 = vector.extract %slice3A_124[0] : f32 from vector<1xf32>
      %add3A_126 = arith.addf %squeeze3A, %squeeze3A_125 : f32
      %slice3A_127 = vector.extract_strided_slice %scan3A_122 {offsets = [2], sizes = [1], strides = [1]} : vector<16xf32> to vector<1xf32>
      %squeeze3A_128 = vector.extract %slice3A_127[0] : f32 from vector<1xf32>
      %add3A_129 = arith.addf %add3A_126, %squeeze3A_128 : f32
      %slice3A_130 = vector.extract_strided_slice %scan3A_122 {offsets = [3], sizes = [1], strides = [1]} : vector<16xf32> to vector<1xf32>
      %squeeze3A_131 = vector.extract %slice3A_130[0] : f32 from vector<1xf32>
      %add3A_132 = arith.addf %add3A_129, %squeeze3A_131 : f32
      %slice3A_133 = vector.extract_strided_slice %scan3A_122 {offsets = [4], sizes = [1], strides = [1]} : vector<16xf32> to vector<1xf32>
      %squeeze3A_134 = vector.extract %slice3A_133[0] : f32 from vector<1xf32>
      %add3A_135 = arith.addf %add3A_132, %squeeze3A_134 : f32
      %slice3A_136 = vector.extract_strided_slice %scan3A_122 {offsets = [5], sizes = [1], strides = [1]} : vector<16xf32> to vector<1xf32>
      %squeeze3A_137 = vector.extract %slice3A_136[0] : f32 from vector<1xf32>
      %add3A_138 = arith.addf %add3A_135, %squeeze3A_137 : f32
      %slice3A_139 = vector.extract_strided_slice %scan3A_122 {offsets = [6], sizes = [1], strides = [1]} : vector<16xf32> to vector<1xf32>
      %squeeze3A_140 = vector.extract %slice3A_139[0] : f32 from vector<1xf32>
      %add3A_141 = arith.addf %add3A_138, %squeeze3A_140 : f32
      %slice3A_142 = vector.extract_strided_slice %scan3A_122 {offsets = [7], sizes = [1], strides = [1]} : vector<16xf32> to vector<1xf32>
      %squeeze3A_143 = vector.extract %slice3A_142[0] : f32 from vector<1xf32>
      %add3A_144 = arith.addf %add3A_141, %squeeze3A_143 : f32
      %slice3A_145 = vector.extract_strided_slice %scan3A_122 {offsets = [8], sizes = [1], strides = [1]} : vector<16xf32> to vector<1xf32>
      %squeeze3A_146 = vector.extract %slice3A_145[0] : f32 from vector<1xf32>
      %add3A_147 = arith.addf %add3A_144, %squeeze3A_146 : f32
      %slice3A_148 = vector.extract_strided_slice %scan3A_122 {offsets = [9], sizes = [1], strides = [1]} : vector<16xf32> to vector<1xf32>
      %squeeze3A_149 = vector.extract %slice3A_148[0] : f32 from vector<1xf32>
      %add3A_150 = arith.addf %add3A_147, %squeeze3A_149 : f32
      %slice3A_151 = vector.extract_strided_slice %scan3A_122 {offsets = [10], sizes = [1], strides = [1]} : vector<16xf32> to vector<1xf32>
      %squeeze3A_152 = vector.extract %slice3A_151[0] : f32 from vector<1xf32>
      %add3A_153 = arith.addf %add3A_150, %squeeze3A_152 : f32
      %slice3A_154 = vector.extract_strided_slice %scan3A_122 {offsets = [11], sizes = [1], strides = [1]} : vector<16xf32> to vector<1xf32>
      %squeeze3A_155 = vector.extract %slice3A_154[0] : f32 from vector<1xf32>
      %add3A_156 = arith.addf %add3A_153, %squeeze3A_155 : f32
      %slice3A_157 = vector.extract_strided_slice %scan3A_122 {offsets = [12], sizes = [1], strides = [1]} : vector<16xf32> to vector<1xf32>
      %squeeze3A_158 = vector.extract %slice3A_157[0] : f32 from vector<1xf32>
      %add3A_159 = arith.addf %add3A_156, %squeeze3A_158 : f32
      %slice3A_160 = vector.extract_strided_slice %scan3A_122 {offsets = [13], sizes = [1], strides = [1]} : vector<16xf32> to vector<1xf32>
      %squeeze3A_161 = vector.extract %slice3A_160[0] : f32 from vector<1xf32>
      %add3A_162 = arith.addf %add3A_159, %squeeze3A_161 : f32
      %slice3A_163 = vector.extract_strided_slice %scan3A_122 {offsets = [14], sizes = [1], strides = [1]} : vector<16xf32> to vector<1xf32>
      %squeeze3A_164 = vector.extract %slice3A_163[0] : f32 from vector<1xf32>
      %add3A_165 = arith.addf %add3A_162, %squeeze3A_164 : f32
      %slice3A_166 = vector.extract_strided_slice %scan3A_122 {offsets = [15], sizes = [1], strides = [1]} : vector<16xf32> to vector<1xf32>
      %squeeze3A_167 = vector.extract %slice3A_166[0] : f32 from vector<1xf32>
      %add3A_168 = arith.addf %add3A_165, %squeeze3A_167 : f32
      %broadcast_in_dim3A_169 = arith.constant 0.000000e+00 : f32
      %broadcast_in_dim3A_170 = vector.broadcast %broadcast_in_dim3A_169 : f32 to vector<16xf32>
      %mul3A_171 = arith.constant 3.05213034E-5 : f32
      %mul3A_172 = arith.mulf %add3A_168, %mul3A_171 : f32
      %add3A_173 = vector.broadcast %mul3A_172 : f32 to vector<16xf32>
      %add3A_174 = arith.addf %broadcast_in_dim3A_170, %add3A_173 : vector<16xf32>
      %swap3A_175 = arith.constant 0 : index
      %swap3A_176 = tpu.vector_load %arg8[%swap3A_175] {strides = array<i32>} : memref<16xf32, #tpu.memory_space<vmem>>, vector<16xf32>,
      %swap3A_177 = vector.shape_cast %swap3A_176 : vector<16xf32> to vector<16xf32>
      %swap3A_178 = vector.shape_cast %add3A_174 : vector<16xf32> to vector<16xf32>
      tpu.vector_store %arg8[%swap3A_175], %swap3A_178 {strides = array<i32>} : memref<16xf32, #tpu.memory_space<vmem>>, vector<16xf32>,
      "tpu.region"() ({
        %run_scoped3A = tpu.sem_alloc : memref<!tpu.dma_semaphore, #tpu.memory_space<semaphore_mem>>
        %dma_start3A_179 = arith.constant 0 : i32
        %dma_start3A_180 = tpu.memref_slice %arg4[%arg0, %dma_start3A_179] : memref<2x16xf32, #tpu.memory_space<hbm>> -> memref<1x16xf32, #tpu.memory_space<hbm>>
        %dma_start3A_181 = tpu.memref_squeeze %dma_start3A_180 : memref<1x16xf32, #tpu.memory_space<hbm>> -> memref<16xf32, #tpu.memory_space<hbm>>
        %dma_start3A_182 = arith.constant 0 : i32
        %dma_start3A_183 = tpu.memref_slice %arg4[%arg0, %dma_start3A_182] : memref<2x16xf32, #tpu.memory_space<hbm>> -> memref<1x16xf32, #tpu.memory_space<hbm>>
        %dma_start3A_184 = tpu.memref_squeeze %dma_start3A_183 : memref<1x16xf32, #tpu.memory_space<hbm>> -> memref<16xf32, #tpu.memory_space<hbm>>
        tpu.enqueue_dma source(%arg8 : memref<16xf32, #tpu.memory_space<vmem>>) target(%dma_start3A_184 : memref<16xf32, #tpu.memory_space<hbm>>) target_semaphore(%run_scoped3A : memref<!tpu.dma_semaphore, #tpu.memory_space<semaphore_mem>>)
        %dma_wait3A_185 = arith.constant 0 : i32
        %dma_wait3A_186 = tpu.memref_slice %arg4[%arg0, %dma_wait3A_185] : memref<2x16xf32, #tpu.memory_space<hbm>> -> memref<1x16xf32, #tpu.memory_space<hbm>>
        %dma_wait3A_187 = tpu.memref_squeeze %dma_wait3A_186 : memref<1x16xf32, #tpu.memory_space<hbm>> -> memref<16xf32, #tpu.memory_space<hbm>>
        %dma_wait3A_188 = arith.constant 0 : i32
        %dma_wait3A_189 = tpu.memref_slice %arg4[%arg0, %dma_wait3A_188] : memref<2x16xf32, #tpu.memory_space<hbm>> -> memref<1x16xf32, #tpu.memory_space<hbm>>
        %dma_wait3A_190 = tpu.memref_squeeze %dma_wait3A_189 : memref<1x16xf32, #tpu.memory_space<hbm>> -> memref<16xf32, #tpu.memory_space<hbm>>
        tpu.wait_dma2 semaphore(%run_scoped3A : memref<!tpu.dma_semaphore, #tpu.memory_space<semaphore_mem>>) src(%arg8 : memref<16xf32, #tpu.memory_space<vmem>>) dst(%dma_wait3A_190 : memref<16xf32, #tpu.memory_space<hbm>>)
        tpu.yield
      }) : () -> ()
    } else {
    }
    return
  }
}

module attributes {stable_mosaic.version = 14 : i64} {
  func.func @_tables_body(%arg0: memref<64x16xf32, #tpu.memory_space<vmem>>, %arg1: memref<16x64xf32, #tpu.memory_space<vmem>>, %arg2: memref<1x64xf32, #tpu.memory_space<vmem>>, %arg3: memref<64x64xf32, #tpu.memory_space<vmem>>, %arg4: memref<64x128xf32, #tpu.memory_space<vmem>>) attributes {dimension_semantics = [], scalar_prefetch = 0 : i64, scratch_operands = 0 : i64, tpu.core_type = #tpu.core_type<tc>} {
    %get3A = arith.constant 0 : index
    %get3A_0 = arith.constant 0 : index
    %get3A_1 = vector.load %arg0[%get3A, %get3A_0] : memref<64x16xf32, #tpu.memory_space<vmem>>, vector<64x16xf32>
    %get3A_2 = arith.constant 0 : index
    %get3A_3 = arith.constant 0 : index
    %get3A_4 = vector.load %arg1[%get3A_2, %get3A_3] : memref<16x64xf32, #tpu.memory_space<vmem>>, vector<16x64xf32>
    %dot_general3A = arith.constant dense<0.000000e+00> : vector<64x64xf32>
    %dot_general3A_5 = tpu.matmul %get3A_1, %get3A_4, %dot_general3A {dimension_numbers = #tpu.dot_dimension_numbers<[1], [0], [0], [1], [0, 0, 1, 1], [], []>, transpose_lhs_hint = false} : vector<64x16xf32>, vector<16x64xf32>, vector<64x64xf32> -> vector<64x64xf32>
    %get3A_6 = arith.constant 0 : index
    %get3A_7 = arith.constant 0 : index
    %get3A_8 = vector.load %arg2[%get3A_6, %get3A_7] : memref<1x64xf32, #tpu.memory_space<vmem>>, vector<1x64xf32>
    %add3A = vector.broadcast %get3A_8 : vector<1x64xf32> to vector<64x64xf32>
    %add3A_9 = arith.addf %dot_general3A_5, %add3A : vector<64x64xf32>
    %transpose3A = tpu.transpose %add3A_9, [1, 0] : vector<64x64xf32> -> vector<64x64xf32>
    %swap3A = arith.constant 0 : index
    %swap3A_10 = arith.constant 0 : index
    %swap3A_11 = vector.load %arg3[%swap3A, %swap3A_10] : memref<64x64xf32, #tpu.memory_space<vmem>>, vector<64x64xf32>
    tpu.vector_store %arg3[%swap3A, %swap3A_10], %transpose3A {strides = array<i32>} : memref<64x64xf32, #tpu.memory_space<vmem>>, vector<64x64xf32>,
    %reduce_max3A = arith.constant dense<0xFF800000> : vector<64xf32>
    %reduce_max3A_12 = vector.multi_reduction <maximumf>, %add3A_9, %reduce_max3A [1] : vector<64x64xf32> to vector<64xf32>
    %broadcast_in_dim3A = vector.shape_cast %reduce_max3A_12 : vector<64xf32> to vector<64x1xf32>
    %sub3A = vector.broadcast %broadcast_in_dim3A : vector<64x1xf32> to vector<64x64xf32>
    %sub3A_13 = arith.subf %add3A_9, %sub3A : vector<64x64xf32>
    %exp3A = math.exp %sub3A_13 : vector<64x64xf32>
    %reduce_sum3A = arith.constant dense<0.000000e+00> : vector<64xf32>
    %reduce_sum3A_14 = vector.multi_reduction <add>, %exp3A, %reduce_sum3A [1] : vector<64x64xf32> to vector<64xf32>
    %broadcast_in_dim3A_15 = vector.shape_cast %reduce_sum3A_14 : vector<64xf32> to vector<64x1xf32>
    %log3A = math.log %broadcast_in_dim3A_15 : vector<64x1xf32>
    %add3A_16 = arith.addf %log3A, %broadcast_in_dim3A : vector<64x1xf32>
    %sub3A_17 = vector.broadcast %add3A_16 : vector<64x1xf32> to vector<64x64xf32>
    %sub3A_18 = arith.subf %sub3A_17, %add3A_9 : vector<64x64xf32>
    %broadcast_in_dim3A_19 = arith.constant 0.000000e+00 : f32
    %broadcast_in_dim3A_20 = vector.broadcast %broadcast_in_dim3A_19 : f32 to vector<64x64xf32>
    %concatenate3A = tpu.concatenate %sub3A_18, %broadcast_in_dim3A_20 in 1 : vector<64x64xf32>, vector<64x64xf32> -> vector<64x128xf32>
    %swap3A_21 = arith.constant 0 : index
    %swap3A_22 = arith.constant 0 : index
    %swap3A_23 = vector.load %arg4[%swap3A_21, %swap3A_22] : memref<64x128xf32, #tpu.memory_space<vmem>>, vector<64x128xf32>
    tpu.vector_store %arg4[%swap3A_21, %swap3A_22], %concatenate3A {strides = array<i32>} : memref<64x128xf32, #tpu.memory_space<vmem>>, vector<64x128xf32>,
    return
  }
}

module attributes {stable_mosaic.version = 14 : i64} {
  func.func @_logits_body(%arg0: i32, %arg1: memref<4x4096xi32, #tpu.memory_space<vmem>>, %arg2: memref<64x64xf32, #tpu.memory_space<vmem>>, %arg3: memref<4x64x4096xf32, #tpu.memory_space<vmem>>) attributes {dimension_semantics = [#tpu.dimension_semantics<arbitrary>], iteration_bounds = array<i64: 2>, scalar_prefetch = 0 : i64, scratch_operands = 0 : i64, tpu.core_type = #tpu.core_type<tc>, window_params = [{transform_indices = @transform_0, window_bounds = array<i64: 4, 4096>}, {pipeline_mode = #tpu.pipeline_mode<synchronous>, transform_indices = @transform_1, window_bounds = array<i64: 64, 64>}, {transform_indices = @transform_2, window_bounds = array<i64: 4, 64, 4096>}]} {
    %iota3A = tpu.iota {dimensions = array<i32: 0>} : vector<64x4096xi32>
    %get3A = arith.constant 0 : index
    %get3A_0 = arith.constant 0 : index
    %get3A_1 = vector.load %arg1[%get3A, %get3A_0] : memref<4x4096xi32, #tpu.memory_space<vmem>>, vector<1x4096xi32>
    %get3A_2 = vector.shape_cast %get3A_1 : vector<1x4096xi32> to vector<4096xi32>
    %broadcast_in_dim3A = vector.shape_cast %get3A_2 : vector<4096xi32> to vector<1x4096xi32>
    %eq3A = vector.broadcast %broadcast_in_dim3A : vector<1x4096xi32> to vector<64x4096xi32>
    %eq3A_3 = arith.cmpi eq, %iota3A, %eq3A : vector<64x4096xi32>
    %jit3A = arith.constant 1.000000e+00 : f32
    %jit3A_4 = arith.constant 0.000000e+00 : f32
    %broadcast_in_dim3A_5 = vector.broadcast %jit3A : f32 to vector<64x4096xf32>
    %broadcast_in_dim3A_6 = vector.broadcast %jit3A_4 : f32 to vector<64x4096xf32>
    %select_n3A = arith.select %eq3A_3, %broadcast_in_dim3A_5, %broadcast_in_dim3A_6 : vector<64x4096xi1>, vector<64x4096xf32>
    %get3A_7 = arith.constant 0 : index
    %get3A_8 = arith.constant 0 : index
    %get3A_9 = vector.load %arg2[%get3A_7, %get3A_8] : memref<64x64xf32, #tpu.memory_space<vmem>>, vector<64x64xf32>
    %dot_general3A = arith.constant dense<0.000000e+00> : vector<64x4096xf32>
    %dot_general3A_10 = tpu.matmul %get3A_9, %select_n3A, %dot_general3A {dimension_numbers = #tpu.dot_dimension_numbers<[1], [0], [0], [1], [0, 0, 1, 1], [], []>, precision = #tpu.contract_precision<fp32>, transpose_lhs_hint = false} : vector<64x64xf32>, vector<64x4096xf32>, vector<64x4096xf32> -> vector<64x4096xf32>
    %swap3A = arith.constant 0 : index
    %swap3A_11 = arith.constant 0 : index
    %swap3A_12 = arith.constant 0 : index
    %swap3A_13 = vector.load %arg3[%swap3A, %swap3A_11, %swap3A_12] : memref<4x64x4096xf32, #tpu.memory_space<vmem>>, vector<1x64x4096xf32>
    %swap3A_14 = vector.shape_cast %swap3A_13 : vector<1x64x4096xf32> to vector<64x4096xf32>
    %swap3A_15 = vector.shape_cast %dot_general3A_10 : vector<64x4096xf32> to vector<1x64x4096xf32>
    tpu.vector_store %arg3[%swap3A, %swap3A_11, %swap3A_12], %swap3A_15 {strides = array<i32>} : memref<4x64x4096xf32, #tpu.memory_space<vmem>>, vector<1x64x4096xf32>,
    %iota3A_16 = tpu.iota {dimensions = array<i32: 0>} : vector<64x4096xi32>
    %get3A_17 = arith.constant 1 : index
    %get3A_18 = arith.constant 0 : index
    %get3A_19 = vector.load %arg1[%get3A_17, %get3A_18] : memref<4x4096xi32, #tpu.memory_space<vmem>>, vector<1x4096xi32>
    %get3A_20 = vector.shape_cast %get3A_19 : vector<1x4096xi32> to vector<4096xi32>
    %broadcast_in_dim3A_21 = vector.shape_cast %get3A_20 : vector<4096xi32> to vector<1x4096xi32>
    %eq3A_22 = vector.broadcast %broadcast_in_dim3A_21 : vector<1x4096xi32> to vector<64x4096xi32>
    %eq3A_23 = arith.cmpi eq, %iota3A_16, %eq3A_22 : vector<64x4096xi32>
    %jit3A_24 = arith.constant 1.000000e+00 : f32
    %jit3A_25 = arith.constant 0.000000e+00 : f32
    %broadcast_in_dim3A_26 = vector.broadcast %jit3A_24 : f32 to vector<64x4096xf32>
    %broadcast_in_dim3A_27 = vector.broadcast %jit3A_25 : f32 to vector<64x4096xf32>
    %select_n3A_28 = arith.select %eq3A_23, %broadcast_in_dim3A_26, %broadcast_in_dim3A_27 : vector<64x4096xi1>, vector<64x4096xf32>
    %get3A_29 = arith.constant 0 : index
    %get3A_30 = arith.constant 0 : index
    %get3A_31 = vector.load %arg2[%get3A_29, %get3A_30] : memref<64x64xf32, #tpu.memory_space<vmem>>, vector<64x64xf32>
    %dot_general3A_32 = arith.constant dense<0.000000e+00> : vector<64x4096xf32>
    %dot_general3A_33 = tpu.matmul %get3A_31, %select_n3A_28, %dot_general3A_32 {dimension_numbers = #tpu.dot_dimension_numbers<[1], [0], [0], [1], [0, 0, 1, 1], [], []>, precision = #tpu.contract_precision<fp32>, transpose_lhs_hint = false} : vector<64x64xf32>, vector<64x4096xf32>, vector<64x4096xf32> -> vector<64x4096xf32>
    %swap3A_34 = arith.constant 1 : index
    %swap3A_35 = arith.constant 0 : index
    %swap3A_36 = arith.constant 0 : index
    %swap3A_37 = vector.load %arg3[%swap3A_34, %swap3A_35, %swap3A_36] : memref<4x64x4096xf32, #tpu.memory_space<vmem>>, vector<1x64x4096xf32>
    %swap3A_38 = vector.shape_cast %swap3A_37 : vector<1x64x4096xf32> to vector<64x4096xf32>
    %swap3A_39 = vector.shape_cast %dot_general3A_33 : vector<64x4096xf32> to vector<1x64x4096xf32>
    tpu.vector_store %arg3[%swap3A_34, %swap3A_35, %swap3A_36], %swap3A_39 {strides = array<i32>} : memref<4x64x4096xf32, #tpu.memory_space<vmem>>, vector<1x64x4096xf32>,
    %iota3A_40 = tpu.iota {dimensions = array<i32: 0>} : vector<64x4096xi32>
    %get3A_41 = arith.constant 2 : index
    %get3A_42 = arith.constant 0 : index
    %get3A_43 = vector.load %arg1[%get3A_41, %get3A_42] : memref<4x4096xi32, #tpu.memory_space<vmem>>, vector<1x4096xi32>
    %get3A_44 = vector.shape_cast %get3A_43 : vector<1x4096xi32> to vector<4096xi32>
    %broadcast_in_dim3A_45 = vector.shape_cast %get3A_44 : vector<4096xi32> to vector<1x4096xi32>
    %eq3A_46 = vector.broadcast %broadcast_in_dim3A_45 : vector<1x4096xi32> to vector<64x4096xi32>
    %eq3A_47 = arith.cmpi eq, %iota3A_40, %eq3A_46 : vector<64x4096xi32>
    %jit3A_48 = arith.constant 1.000000e+00 : f32
    %jit3A_49 = arith.constant 0.000000e+00 : f32
    %broadcast_in_dim3A_50 = vector.broadcast %jit3A_48 : f32 to vector<64x4096xf32>
    %broadcast_in_dim3A_51 = vector.broadcast %jit3A_49 : f32 to vector<64x4096xf32>
    %select_n3A_52 = arith.select %eq3A_47, %broadcast_in_dim3A_50, %broadcast_in_dim3A_51 : vector<64x4096xi1>, vector<64x4096xf32>
    %get3A_53 = arith.constant 0 : index
    %get3A_54 = arith.constant 0 : index
    %get3A_55 = vector.load %arg2[%get3A_53, %get3A_54] : memref<64x64xf32, #tpu.memory_space<vmem>>, vector<64x64xf32>
    %dot_general3A_56 = arith.constant dense<0.000000e+00> : vector<64x4096xf32>
    %dot_general3A_57 = tpu.matmul %get3A_55, %select_n3A_52, %dot_general3A_56 {dimension_numbers = #tpu.dot_dimension_numbers<[1], [0], [0], [1], [0, 0, 1, 1], [], []>, precision = #tpu.contract_precision<fp32>, transpose_lhs_hint = false} : vector<64x64xf32>, vector<64x4096xf32>, vector<64x4096xf32> -> vector<64x4096xf32>
    %swap3A_58 = arith.constant 2 : index
    %swap3A_59 = arith.constant 0 : index
    %swap3A_60 = arith.constant 0 : index
    %swap3A_61 = vector.load %arg3[%swap3A_58, %swap3A_59, %swap3A_60] : memref<4x64x4096xf32, #tpu.memory_space<vmem>>, vector<1x64x4096xf32>
    %swap3A_62 = vector.shape_cast %swap3A_61 : vector<1x64x4096xf32> to vector<64x4096xf32>
    %swap3A_63 = vector.shape_cast %dot_general3A_57 : vector<64x4096xf32> to vector<1x64x4096xf32>
    tpu.vector_store %arg3[%swap3A_58, %swap3A_59, %swap3A_60], %swap3A_63 {strides = array<i32>} : memref<4x64x4096xf32, #tpu.memory_space<vmem>>, vector<1x64x4096xf32>,
    %iota3A_64 = tpu.iota {dimensions = array<i32: 0>} : vector<64x4096xi32>
    %get3A_65 = arith.constant 3 : index
    %get3A_66 = arith.constant 0 : index
    %get3A_67 = vector.load %arg1[%get3A_65, %get3A_66] : memref<4x4096xi32, #tpu.memory_space<vmem>>, vector<1x4096xi32>
    %get3A_68 = vector.shape_cast %get3A_67 : vector<1x4096xi32> to vector<4096xi32>
    %broadcast_in_dim3A_69 = vector.shape_cast %get3A_68 : vector<4096xi32> to vector<1x4096xi32>
    %eq3A_70 = vector.broadcast %broadcast_in_dim3A_69 : vector<1x4096xi32> to vector<64x4096xi32>
    %eq3A_71 = arith.cmpi eq, %iota3A_64, %eq3A_70 : vector<64x4096xi32>
    %jit3A_72 = arith.constant 1.000000e+00 : f32
    %jit3A_73 = arith.constant 0.000000e+00 : f32
    %broadcast_in_dim3A_74 = vector.broadcast %jit3A_72 : f32 to vector<64x4096xf32>
    %broadcast_in_dim3A_75 = vector.broadcast %jit3A_73 : f32 to vector<64x4096xf32>
    %select_n3A_76 = arith.select %eq3A_71, %broadcast_in_dim3A_74, %broadcast_in_dim3A_75 : vector<64x4096xi1>, vector<64x4096xf32>
    %get3A_77 = arith.constant 0 : index
    %get3A_78 = arith.constant 0 : index
    %get3A_79 = vector.load %arg2[%get3A_77, %get3A_78] : memref<64x64xf32, #tpu.memory_space<vmem>>, vector<64x64xf32>
    %dot_general3A_80 = arith.constant dense<0.000000e+00> : vector<64x4096xf32>
    %dot_general3A_81 = tpu.matmul %get3A_79, %select_n3A_76, %dot_general3A_80 {dimension_numbers = #tpu.dot_dimension_numbers<[1], [0], [0], [1], [0, 0, 1, 1], [], []>, precision = #tpu.contract_precision<fp32>, transpose_lhs_hint = false} : vector<64x64xf32>, vector<64x4096xf32>, vector<64x4096xf32> -> vector<64x4096xf32>
    %swap3A_82 = arith.constant 3 : index
    %swap3A_83 = arith.constant 0 : index
    %swap3A_84 = arith.constant 0 : index
    %swap3A_85 = vector.load %arg3[%swap3A_82, %swap3A_83, %swap3A_84] : memref<4x64x4096xf32, #tpu.memory_space<vmem>>, vector<1x64x4096xf32>
    %swap3A_86 = vector.shape_cast %swap3A_85 : vector<1x64x4096xf32> to vector<64x4096xf32>
    %swap3A_87 = vector.shape_cast %dot_general3A_81 : vector<64x4096xf32> to vector<1x64x4096xf32>
    tpu.vector_store %arg3[%swap3A_82, %swap3A_83, %swap3A_84], %swap3A_87 {strides = array<i32>} : memref<4x64x4096xf32, #tpu.memory_space<vmem>>, vector<1x64x4096xf32>,
    return
  }
  func.func @transform_0(%arg0: i32) -> (i32, i32) {
    %c0_i32 = arith.constant 0 : i32
    %c0_i32_0 = arith.constant 0 : i32
    return %c0_i32, %arg0 : i32, i32
  }
  func.func @transform_1(%arg0: i32) -> (i32, i32) {
    %c0_i32 = arith.constant 0 : i32
    %c0_i32_0 = arith.constant 0 : i32
    %c0_i32_1 = arith.constant 0 : i32
    return %c0_i32, %c0_i32_0 : i32, i32
  }
  func.func @transform_2(%arg0: i32) -> (i32, i32, i32) {
    %c0_i32 = arith.constant 0 : i32
    %c0_i32_0 = arith.constant 0 : i32
    %c0_i32_1 = arith.constant 0 : i32
    return %c0_i32, %c0_i32_0, %arg0 : i32, i32, i32
  }
}

</mosaic_0001>

<sc_bundles>
// kernel: kernel.5.cloned.1.call-start
scs
__scs_entry_jumppad:
0x0: {  	(pc) =	sbr.rel $0x88, $3  }
0x1: {  	(tag) =	ssettag $0x0;
	lr =	simm.s32 $0x1  }
0x2: {  	[smem:$0x3F9D] =	sst lr;
	_ =	strace $0xD0000000  }
0x3: {  	_ = 	snop  }
0x4: {  	_ = 	snop  }
0x5: {  	_ = 	snop  }
0x6: {  	_ = 	snop  }
0x7: {  	_ = 	snop  }
__scs_overlays_trampoline_lowered:
0x8: {  	[smem:$0x3FAC] =	sst s0  }
0x9: {  	[smem:$0x3FAD] =	sst s1  }
0xa: {  	[smem:$0x3FAE] =	sst s2  }
0xb: {  	[smem:$0x3FAF] =	sst s3  }
0xc: {  	[smem:$0x3FB0] =	sst s4  }
0xd: {  	[smem:$0x3FB1] =	sst s5  }
0xe: {  	[smem:$0x3FB2] =	sst s6  }
0xf: {  	[smem:$0x3FB3] =	sst s7  }
0x10: {  	[smem:$0x3FB4] =	sst s8  }
0x11: {  	[smem:$0x3FB5] =	sst s9;
	s0 =	simm.s32 @!p0 $0x0  }
0x12: {  	s1 =	sld [smem:$0x3F9B];
	s0 =	simm.s32 @p0 $0x1  }
0x13: {  	[smem:$0x3FB6] =	sst s0;
	s0 =	simm.s32 @!p1 $0x0  }
0x14: {  	s2 =	sld [smem:$0x3F9A];
	s0 =	simm.s32 @p1 $0x1  }
0x15: {  	[smem:$0x3FB7] =	sst s0;
	s0 =	simm.s32 @!p2 $0x0  }
0x16: {  	s3 =	sld [smem:$0x3FDB];
	s0 =	simm.s32 @p2 $0x1  }
0x17: {  	s4 =	simm.s32 $0x1BF5;
	[smem:$0x3FB9] =	sst s0  }
0x18: {  	s0 =	sld [smem:$0x3F9C];
	_ =	swait.ge [sflag:s4], $0x0  }
0x19: {  	s7 =	sld [smem:$0x3F9D]  }
0x1a: {  	s8 =	sadd.s32 $0xFFFFE003, lr  }
0x1b: {  	s9 =	sadd.s32 $0xFFFFFEF7, lr;
	s5 =	simm.s32 $0xFFFFFFFF;
	p2 =	slt.u32 s8, $0xFFFFF086  }
0x1c: {  	p1 =	slt.u32 s9, $0xF7A;
	s5 =	simm.s32 @!p2 $0x0  }
0x1d: {  	s5 =	simm.s32 @p1 $0x1;
	p0 =	seq.s32 s7, s2  }
0x1e: {  	s7 =	smul.u32 @!p0 $0xF7A, s2;
	p2 =	seq.s32 @!p0 s5, $0x0  }
0x1f: {  	s9 =	smul.u32 $0xF7A, s1;
	s8 =	simm.s32 @!p0 $0x1BF5;
	p2 =	por !p2, p0  }
0x20: {  	[sflag:s8] =	ssyncset.s32 @!p0 $0xFFFFF086;
	s6 =	sadd.s32 @!p0 s3, s7;
	s7 =	simm.s32 @!p0 $0x108  }
0x21: {  	s3 =	sadd.s32 s3, s9;
	s6 =	sadd.s32 @!p0 $0x88, s6;
	s7 =	simm.s32 @p2 $0x1082  }
0x22: {  	[simem:s7], [sflag:s8] =	dma.local @!p0 [hbm:s6], $0xF7A  }
0x23: {  	s9 =	sor.u32 $0xD0000000, s2;
	s6 =	simm.s32 $0x108;
	_ =	swait.ge @!p0 [sflag:s8], $0x0  }
0x24: {  	s3 =	sadd.s32 $0x88, s3;
	s6 =	simm.s32 @!p1 $0x1082;
	[sflag:s4] =	ssyncset.s32 $0xFFFFF086  }
0x25: {  	[simem:s6], [sflag:s4] =	dma.local [hbm:s3], $0xF7A  }
0x26: {  	[smem:$0x3F9D] =	sst s1;
	(tag) =	ssettag s2;
	_ =	strace s9  }
0x27: {  	s1 =	sld [smem:$0x3FAD]  }
0x28: {  	s2 =	sld [smem:$0x3FAE]  }
0x29: {  	s4 =	sld [smem:$0x3FB0]  }
0x2a: {  	p0 =	seq.s32 s5, $0x0;
	s5 =	sld [smem:$0x3FB1]  }
0x2b: {  	s6 =	sld [smem:$0x3FB2]  }
0x2c: {  	s7 =	sld [smem:$0x3FB3]  }
0x2d: {  	s3 =	simm.s32 $0x108;
	s8 =	sld [smem:$0x3FB4]  }
0x2e: {  	s3 =	simm.s32 @!p0 $0x1082;
	s9 =	sld [smem:$0x3FB5]  }
0x2f: {  	lr =	sadd.s32 s0, s3;
	s0 =	sld [smem:$0x3FAC]  }
0x30: {  	s3 =	sld [smem:$0x3FAF]  }
0x31: {  	[smem:$0x3FB8] =	sst s10  }
0x32: {  	s10 =	sld [smem:$0x3FB6];
	_ =	sdelay $0x3  }
0x33: {  	p0 =	seq.s32 s10, $0x1;
	s10 =	sld [smem:$0x3FB8];
	_ =	sdelay $0x3  }
0x34: {  	[smem:$0x3FB8] =	sst s10  }
0x35: {  	s10 =	sld [smem:$0x3FB7];
	_ =	sdelay $0x3  }
0x36: {  	p1 =	seq.s32 s10, $0x1;
	s10 =	sld [smem:$0x3FB8];
	_ =	sdelay $0x3  }
0x37: {  	[smem:$0x3FB8] =	sst s10  }
0x38: {  	s10 =	sld [smem:$0x3FB9]  }
0x39: {  	_ = 	snop;
	(pc) =	sbr.ind lr, $3  }
0x3a: {  	_ = 	snop  }
0x3b: {  	_ = 	snop  }
0x3c: {  	p2 =	seq.s32 s10, $0x1;
	s10 =	sld [smem:$0x3FB8]  }
0x3d: {  	_ =	shalt  }
0x3e: {  	_ =	shalt  }
0x3f: {  	_ =	shalt  }
0x40: {  	_ =	shalt  }
0x41: {  	_ =	shalt  }
0x42: {  	_ =	shalt  }
0x43: {  	_ =	shalt  }
0x44: {  	_ =	shalt  }
0x45: {  	_ =	shalt  }
0x46: {  	_ =	shalt  }
0x47: {  	_ =	shalt  }
0x48: {  	_ =	shalt  }
0x49: {  	_ =	shalt  }
0x4a: {  	_ =	shalt  }
0x4b: {  	_ =	shalt  }
0x4c: {  	_ =	shalt  }
0x4d: {  	_ =	shalt  }
0x4e: {  	_ =	shalt  }
0x4f: {  	_ =	shalt  }
0x50: {  	_ =	shalt  }
0x51: {  	_ =	shalt  }
0x52: {  	_ =	shalt  }
0x53: {  	_ =	shalt  }
0x54: {  	_ =	shalt  }
0x55: {  	_ =	shalt  }
0x56: {  	_ =	shalt  }
0x57: {  	_ =	shalt  }
0x58: {  	_ =	shalt  }
0x59: {  	_ =	shalt  }
0x5a: {  	_ =	shalt  }
0x5b: {  	_ =	shalt  }
0x5c: {  	_ =	shalt  }
0x5d: {  	_ =	shalt  }
0x5e: {  	_ =	shalt  }
0x5f: {  	_ =	shalt  }
0x60: {  	_ =	shalt  }
0x61: {  	_ =	shalt  }
0x62: {  	_ =	shalt  }
0x63: {  	_ =	shalt  }
0x64: {  	_ =	shalt  }
0x65: {  	_ =	shalt  }
0x66: {  	_ =	shalt  }
0x67: {  	_ =	shalt  }
0x68: {  	_ =	shalt  }
0x69: {  	_ =	shalt  }
0x6a: {  	_ =	shalt  }
0x6b: {  	_ =	shalt  }
0x6c: {  	_ =	shalt  }
0x6d: {  	_ =	shalt  }
0x6e: {  	_ =	shalt  }
0x6f: {  	_ =	shalt  }
0x70: {  	_ =	shalt  }
0x71: {  	_ =	shalt  }
0x72: {  	_ =	shalt  }
0x73: {  	_ =	shalt  }
0x74: {  	_ =	shalt  }
0x75: {  	_ =	shalt  }
0x76: {  	_ =	shalt  }
0x77: {  	_ =	shalt  }
0x78: {  	_ =	shalt  }
0x79: {  	_ =	shalt  }
0x7a: {  	_ =	shalt  }
0x7b: {  	_ =	shalt  }
0x7c: {  	_ =	shalt  }
0x7d: {  	_ =	shalt  }
0x7e: {  	_ =	shalt  }
0x7f: {  	_ =	shalt  }
0x80: {  	_ =	shalt  }
0x81: {  	_ =	shalt  }
0x82: {  	_ =	shalt  }
0x83: {  	_ =	shalt  }
0x84: {  	_ =	shalt  }
0x85: {  	_ =	shalt  }
0x86: {  	_ =	shalt  }
0x87: {  	_ =	shalt  }
.Lfunc_end0:
.L_simem_size_0:
called_computation_lowered:
.L_overlay_start_0:
0x88: {  	s2 =	sld [smem:$0x3FD9]  }
0x89: {  	s3 =	sld [smem:$0x3FFE];
	_ =	sdelay $0x1  }
0x8a: {  	s1 =	srdreg.scid  }
0x8b: {  	s0 =	sand.u32 $0x1, s1  }
0x8c: {  	s16 =	sshll.u32 s0, $0xA;
	s2 =	sadd.s32 s3, s2  }
0x8d: {  	s2 =	sadd.s32 s2, s16  }
0x8e: {  	[smem:$0x3FC4] =	sst s2  }
0x8f: {  	_ = 	snop  }
0x90: {  	(tm) =	ssettm $0x1  }
0x91: {  	s17 =	sld [smem:$0x3FFB];
	_ =	sdelay $0x3  }
0x92: {  	_ =	strace s17  }
0x93: {  	s2 =	sld [smem:$0x3FFC];
	_ =	sdelay $0x3  }
0x94: {  	_ =	strace s2  }
0x95: {  	s2 =	sld [smem:$0x3FFD];
	_ =	sdelay $0x3  }
0x96: {  	_ =	strace s2  }
0x97: {  	_ =	strace $0x8FFFFFFF  }
0x98: {  	s18 =	sld [smem:$0x3FDB];
	_ =	sdelay $0x1  }
0x99: {  	s19 =	simm.s32 $_scs_section_size  }
0x9a: {  	s4 =	simm.s32 $_size__tile_overlayer_lowered;
	s5 =	simm.s32 $_tile_overlayer_lowered  }
0x9b: {  	s22 =	simm.s32 $0x1BFF;
	s21 =	sshll.u32 s5, $0x1;
	s2 =	sadd.s32 s19, s18  }
0x9c: {  	s6 =	simm.s32 $0x0;
	s20 =	sshll.u32 s4, $0x1;
	s4 =	sadd.s32 s21, s2  }
0x9d: {  	[timem:s6], [sflag:s22] =	dma.local [hbm:s4], s20  }
0x9e: {  	_ =	swait.ge [sflag:s22], s20  }
0x9f: {  	s3 =	ssub.s32 $0x0, s20;
	[sflag:s22] =	ssyncset.done $0x0  }
0xa0: {  	[sflag:s22] =	ssyncadd.s32 s3;
	_ =	sdelay $0x1  }
0xa1: {  	s23 =	simm.s32 $0x1B8B  }
0xa2: {  	_ =	swait.ge [sflag:s23], $0x1  }
0xa3: {  	[sflag:s23] =	ssyncset.done $0x0  }
0xa4: {  	s25 =	simm.s32 $0x1B8E;
	s24 =	sld [smem:$0x3FFE];
	[sflag:s23] =	ssyncadd.s32 $0xFFFFFFFF  }
0xa5: {  	s26 =	simm.s32 $execute0_lowered;
	[smem:$0x3FD2] =	sst s25  }
0xa6: {  	s4 =	sshll.u32 s26, $0x1;
	_ =	strace $0x80000046;
	[dreg:$0x1] =	wrdreg $0xFFFFFFFF  }
0xa7: {  	s28 =	simm.s32 $_size_execute0_lowered;
	s2 =	sadd.s32 s2, s4;
	[dreg:$0x0] =	wrdreg $0x0  }
0xa8: {  	s4 =	sshll.u32 s28, $0x1;
	[dreg:$0x2] =	wrdreg s2  }
0xa9: {  	[dreg:$0x3] =	wrdreg s4  }
0xaa: {  	[dreg:$0x4] =	wrdreg $0xC0  }
0xab: {  	_ =	task [dreg:s6], $0x5FFFF  }
0xac: {  	[dreg:$0x1] =	wrdreg $0xFFFFFFFF  }
0xad: {  	[dreg:$0x0] =	wrdreg $0x60  }
0xae: {  	[dreg:$0x2] =	wrdreg s24  }
0xaf: {  	[dreg:$0x3] =	wrdreg $0xE000  }
0xb0: {  	[dreg:$0x4] =	wrdreg $0x9  }
0xb1: {  	_ =	task.clear_ibuf [dreg:s6], $0x5FFFF;
	_ =	strace $0x90000046  }
0xb2: {  	s29 =	simm.s32 $0x9;
	_ =	strace $0x80000048  }
0xb3: {  	_ =	swait.ge [sflag:s29], $0x1  }
0xb4: {  	[sflag:s29] =	ssyncadd.s32 $0xFFFFFFFF  }
0xb5: {  	_ =	strace $0x90000048  }
0xb6: {  	_ =	sfence  }
0xb7: {  	s30 =	sld [smem:$0x0];
	_ =	sdelay $0x2  }
0xb8: {  	s31 =	sshll.u32 s1, $0xD;
	s1 =	sshrl.u32 s1, $0x2  }
0xb9: {  	s3 =	sand.u32 $0x4000, s31;
	s1 =	sadd.s32 s1, s30  }
0xba: {  	s0 =	sor.u32 s3, s0;
	s1 =	sshll.u32 s1, $0x11  }
0xbb: {  	s0 =	sor.u32 s1, s0  }
0xbc: {  	s0 =	sadd.s32 $0x8F2B, s0  }
0xbd: {  	[sflag:s0] =	ssyncadd.remote.s32 $0x1  }
0xbe: {  	_ =	sfence.sel $0xFFFF  }
0xbf: {  	[dreg:$0x0] =	wrdreg $0xFFFFFFFF;
	(pc) =	sbr.abs _section_cstart, $3  }
0xc0: {  	[dreg:$0x1] =	wrdreg $0xFFFFFFFF  }
0xc1: {  	_ =	task.clear_ibuf [dreg:s6], $0x2FFFF;
	_ =	strace $0x9FFFFFFF  }
0xc2: {  	(tm) =	ssettm $0x7FFFFFFF  }
0xc3: {  	_ =	shalt  }
tec
execute0_lowered:
.L_overlay_start_1:
0x0: {  	(tag) =	ssettag $0x1  }
0x1: {  	s0 =	srdreg.scid;
	s3 =	rddreg [dreg:$0x0]  }
0x2: {  	s25 =	stileid.u32;
	s8 =	rddreg [dreg:$0x1];
	s2 =	simm.s32 $0x0  }
0x3: {  	s9 =	simm.s32 $0x2;
	s10 =	simm.s32 $0x80;
	s11 =	simm.s32 $0x480  }
0x4: {  	s12 =	simm.s32 $0x880;
	s13 =	simm.s32 $0x500;
	s14 =	simm.s32 $0x900  }
0x5: {  	s15 =	simm.s32 $0x580;
	s16 =	simm.s32 $0x980;
	s17 =	simm.s32 $0x600  }
0x6: {  	s18 =	simm.s32 $0xA00;
	s19 =	simm.s32 $0x680;
	s20 =	simm.s32 $0xA80  }
0x7: {  	s21 =	simm.s32 $0x700;
	s22 =	simm.s32 $0xB00;
	s23 =	simm.s32 $0x780  }
0x8: {  	s24 =	simm.s32 $0xB80;
	s28 =	simm.s32 $0x1;
	s29 =	simm.s32 $0xC80  }
0x9: {  	s31 =	simm.s32 $0x0;
	s0 =	sand.u32 $0x1, s0;
	s1 =	sshll.u32 s25, $0xB  }
0xa: {  	[smem:$0x7FF] =	sst s2;
	s30 =	sshll.u32 s25, $0x4;
	p0 =	sne.s32 s25, $0x0  }
0xb: {  	s25 =	simm.s32 $0x800;
	s4 =	sshll.u32 s0, $0xA;
	_ =	strace $0x80000047  }
.Ltmp0:
0xc: {  	s6 =	ssub.s32 $0x2, s0;
	s0 =	sshll.u32 s0, $0x4;
	(pc) =	sbr.rel .LBB2_1-.Ltmp0, $4  }
0xd: {  	s1 =	sor.u32 s4, s1;
	s7 =	sshrl.u32 s6, $0x1;
	s0 =	sadd.s32 s0, s3  }
0xe: {  	s4 =	sshrl.u32 s1, $0x3;
	s26 =	ssub.s32 s6, s7;
	s6 =	sadd.s32 s30, s8  }
0xf: {  	s7 =	sadd.s32 $0x2600, s0;
	s5 =	sadd.s32 s4, s3;
	s4 =	sadd.s32 $0x2200, s3  }
0x10: {  	v0 =	vlaneseq.u32;
	s8 =	smax.u32 s26, $0x1;
	s26 =	simm.s32 $0xC00;
	s5 =	sadd.s32 $0x1000, s5  }
.LBB2_7:
0x11: {  	s31 =	sadd.s32 $0x1, s31  }
0x12: {  	p1 =	sne.s32 s31, s8  }
.Ltmp1:
0x13: {  	_ = 	snop;
	(pc) =	sbr.rel @!p1 .LBB2_8-.Ltmp1, $1  }
0x14: {  	_ =	sdelay $0x3  }
.LBB2_1:
0x15: {  	[tilespmem:s2], [sflag:$0x2] =	stream.linear.gather [hbm4b:s5+s2], $0x408, $0x38;
	[tilespmem:$0xE10] =	vst v63  }
0x16: {  	_ =	swait.ge [sflag:s9], $0x408  }
0x17: {  	[sflag:s9] =	ssyncset.done $0x0  }
0x18: {  	s0 =	simm.s32 $0x0;
	[sflag:s9] =	ssyncadd.s32 $0xFFFFFBF8  }
0x19: {  	v1 =	vld [tilespmem:s0+$0x0]  }
0x1a: {  	s3 =	simm.s32 $0x40;
	v2 =	vld [tilespmem:s0+$0x1]  }
.LBB2_2:
0x1b: {  	p1 =	sne.s32 s3, $0xFC0  }
.Ltmp2:
0x1c: {  	_ = 	snop;
	(pc) =	sbr.rel @p1 .LBB2_2-.Ltmp2, $4  }
0x1d: {  	_ = 	snop  }
0x1e: {  	s30 =	sshra.s32 s3, $0x2;
	s3 =	sadd.s32 $0x40, s3;
	v3 =	vshll.u32 v1, $0x7  }
0x1f: {  	v1 =	vld [tilespmem:s30+$0x0];
	v3 =	vadd.s32 v2, v3  }
0x20: {  	v2 =	vld [tilespmem:s30+$0x1];
	[tilespmem:s0+$0x480] =	vst v3;
	s0 =	smov.u32 s30  }
0x21: {  	_ =	sdelay $0x2  }
0x22: {  	v1 =	vshll.u32 v1, $0x7  }
0x23: {  	v1 =	vadd.s32 v2, v1  }
0x24: {  	[tilespmem:s0+$0x480] =	vst v1  }
0x25: {  	[tilespmem:s12], [sflag:$0x1] =	stream.indirect.gather [hbm4b:s4+s10], $0x1, s11, s10, $0xb8;
	[tilespmem:$0xE10] =	vst v63  }
0x26: {  	_ = 	snop  }
0x27: {  	[tilespmem:s14], [sflag:$0x1] =	stream.indirect.gather [hbm4b:s4+s10], $0x1, s13, s10, $0xb8;
	[tilespmem:$0xE10] =	vst v63  }
0x28: {  	_ = 	snop  }
0x29: {  	[tilespmem:s16], [sflag:$0x1] =	stream.indirect.gather [hbm4b:s4+s10], $0x1, s15, s10, $0xb8;
	[tilespmem:$0xE10] =	vst v63  }
0x2a: {  	_ = 	snop  }
0x2b: {  	[tilespmem:s18], [sflag:$0x1] =	stream.indirect.gather [hbm4b:s4+s10], $0x1, s17, s10, $0xb8;
	[tilespmem:$0xE10] =	vst v63  }
0x2c: {  	_ = 	snop  }
0x2d: {  	[tilespmem:s20], [sflag:$0x1] =	stream.indirect.gather [hbm4b:s4+s10], $0x1, s19, s10, $0xb8;
	[tilespmem:$0xE10] =	vst v63  }
0x2e: {  	_ = 	snop  }
0x2f: {  	[tilespmem:s22], [sflag:$0x1] =	stream.indirect.gather [hbm4b:s4+s10], $0x1, s21, s10, $0xb8;
	[tilespmem:$0xE10] =	vst v63  }
0x30: {  	_ = 	snop  }
0x31: {  	[tilespmem:s24], [sflag:$0x1] =	stream.indirect.gather [hbm4b:s4+s10], $0x1, s23, s10, $0xb8;
	[tilespmem:$0xE10] =	vst v63  }
0x32: {  	_ = 	snop  }
0x33: {  	[tilespmem:s26], [sflag:$0x1] =	stream.indirect.gather [hbm4b:s4+s10], $0x1, s25, s10, $0xb8;
	[tilespmem:$0xE10] =	vst v63  }
0x34: {  	_ =	swait.ge [sflag:s28], $0x80  }
0x35: {  	[sflag:s28] =	ssyncset.done $0x0  }
0x36: {  	[sflag:s28] =	ssyncadd.s32 $0xFFFFFF80  }
0x37: {  	_ =	swait.ge [sflag:s28], $0x80  }
0x38: {  	[sflag:s28] =	ssyncset.done $0x0  }
0x39: {  	[sflag:s28] =	ssyncadd.s32 $0xFFFFFF80  }
0x3a: {  	_ =	swait.ge [sflag:s28], $0x80  }
0x3b: {  	[sflag:s28] =	ssyncset.done $0x0  }
0x3c: {  	[sflag:s28] =	ssyncadd.s32 $0xFFFFFF80  }
0x3d: {  	_ =	swait.ge [sflag:s28], $0x80  }
0x3e: {  	[sflag:s28] =	ssyncset.done $0x0  }
0x3f: {  	[sflag:s28] =	ssyncadd.s32 $0xFFFFFF80  }
0x40: {  	_ =	swait.ge [sflag:s28], $0x80  }
0x41: {  	[sflag:s28] =	ssyncset.done $0x0  }
0x42: {  	[sflag:s28] =	ssyncadd.s32 $0xFFFFFF80  }
0x43: {  	_ =	swait.ge [sflag:s28], $0x80  }
0x44: {  	[sflag:s28] =	ssyncset.done $0x0  }
0x45: {  	[sflag:s28] =	ssyncadd.s32 $0xFFFFFF80  }
0x46: {  	_ =	swait.ge [sflag:s28], $0x80  }
0x47: {  	[sflag:s28] =	ssyncset.done $0x0  }
0x48: {  	[sflag:s28] =	ssyncadd.s32 $0xFFFFFF80  }
0x49: {  	_ =	swait.ge [sflag:s28], $0x80  }
0x4a: {  	[sflag:s28] =	ssyncset.done $0x0  }
0x4b: {  	s3 =	simm.s32 $0x0;
	[sflag:s28] =	ssyncadd.s32 $0xFFFFFF80  }
0x4c: {  	v2 =	vld [tilespmem:s3+$0x880];
	_ =	sdelay $0x1  }
0x4d: {  	v1 =	vor.u32 s1, v0  }
0x4e: {  	v3 =	vand.u32 $0x1FFF, v1  }
0x4f: {  	s0 =	simm.s32 $0x40;
	v1 =	vimm.f32 $0.0e+00;
	vm0 =	veq.s32 v3, $0x1FFF;
	s3 =	smov.u32 s1  }
.LBB2_4:
0x50: {  	s30 =	sshra.s32 s0, $0x2;
	p1 =	sne.s32 s0, $0xFC0;
	s0 =	sadd.s32 $0x40, s0;
	v3 =	vsel vm0, $0x0, v2  }
.Ltmp3:
0x51: {  	v2 =	vld [tilespmem:s30+$0x880];
	v1 =	vadd.f32 v3, v1;
	(pc) =	sbr.rel @p1 .LBB2_4-.Ltmp3, $4  }
0x52: {  	s3 =	sadd.s32 $0x10, s3  }
0x53: {  	v3 =	vor.u32 s3, v0  }
0x54: {  	v3 =	vand.u32 $0x1FFF, v3  }
0x55: {  	vm0 =	veq.s32 v3, $0x1FFF  }
0x56: {  	v2 =	vsel vm0, $0x0, v2  }
0x57: {  	v1 =	vadd.f32 v2, v1;
	_ =	sdelay $0x1  }
0x58: {  	[tilespmem:$0xC80] =	vst v1  }
0x59: {  	[spmem:s6] =	stream.linear.scatter [tilespmem:s29], [sflag:$0x2], $0x10, $0x38;
	[tilespmem:$0xE10] =	vst v63  }
.Ltmp4:
0x5a: {  	_ =	swait.ge [sflag:s9], $0x10;
	(pc) =	sbr.rel @p0 .LBB2_7-.Ltmp4, $3  }
0x5b: {  	[sflag:s9] =	ssyncset.done $0x0  }
0x5c: {  	[sflag:s9] =	ssyncadd.s32 $0xFFFFFFF0  }
0x5d: {  	[bflag:$0x0] =	sbarrier.arrive $0xFFFF;
	_ =	sdelay $0x1  }
0x5e: {  	s0 =	rddreg [dreg:$0x1];
	s3 =	simm.s32 $0xD00  }
0x5f: {  	[tilespmem:s3], [sflag:$0x2] =	stream.linear.gather [spmem:s0], $0x100, $0x38;
	[tilespmem:$0xE10] =	vst v63  }
0x60: {  	_ =	swait.ge [sflag:s9], $0x100  }
0x61: {  	[sflag:s9] =	ssyncset.done $0x0  }
0x62: {  	[sflag:s9] =	ssyncadd.s32 $0xFFFFFF00  }
0x63: {  	v1 =	vld [tilespmem:$0xD00];
	_ =	sdelay $0x1  }
0x64: {  	v2 =	vld [tilespmem:$0xD10];
	_ =	sdelay $0x1  }
0x65: {  	v3 =	vld [tilespmem:$0xD20]  }
0x66: {  	v1 =	vadd.f32 $0.0e+00, v1  }
0x67: {  	v4 =	vld [tilespmem:$0xD30]  }
0x68: {  	v1 =	vadd.f32 v2, v1  }
0x69: {  	v2 =	vld [tilespmem:$0xD40]  }
0x6a: {  	v1 =	vadd.f32 v3, v1  }
0x6b: {  	v3 =	vld [tilespmem:$0xD50]  }
0x6c: {  	v1 =	vadd.f32 v4, v1  }
0x6d: {  	v60 =	vld [tilespmem:$0xD60]  }
0x6e: {  	v1 =	vadd.f32 v2, v1  }
0x6f: {  	v2 =	vld [tilespmem:$0xD70]  }
0x70: {  	v1 =	vadd.f32 v3, v1  }
0x71: {  	v3 =	vld [tilespmem:$0xD80]  }
0x72: {  	v1 =	vadd.f32 v60, v1  }
0x73: {  	v61 =	vld [tilespmem:$0xD90]  }
0x74: {  	v1 =	vadd.f32 v2, v1  }
0x75: {  	v2 =	vld [tilespmem:$0xDA0]  }
0x76: {  	v1 =	vadd.f32 v3, v1  }
0x77: {  	v3 =	vld [tilespmem:$0xDB0]  }
0x78: {  	v1 =	vadd.f32 v61, v1  }
0x79: {  	v62 =	vld [tilespmem:$0xDC0]  }
0x7a: {  	v1 =	vadd.f32 v2, v1  }
0x7b: {  	v2 =	vld [tilespmem:$0xDD0]  }
0x7c: {  	v1 =	vadd.f32 v3, v1  }
0x7d: {  	v3 =	vld [tilespmem:$0xDE0]  }
0x7e: {  	v1 =	vadd.f32 v62, v1  }
0x7f: {  	v63 =	vld [tilespmem:$0xDF0]  }
0x80: {  	v1 =	vadd.f32 v2, v1;
	_ =	sdelay $0x1  }
0x81: {  	v1 =	vadd.f32 v3, v1;
	_ =	sdelay $0x1  }
0x82: {  	v1 =	vadd.f32 v63, v1;
	_ =	sdelay $0x1  }
0x83: {  	(v2sf) =	vpush v1, $0x0  }
0x84: {  	(v2sf) =	vpush v1, $0x1;
	_ =	sdelay $0x1  }
0x85: {  	(v2sf) =	vpush v1, $0x2;
	_ =	sdelay $0x1  }
0x86: {  	(v2sf) =	vpush v1, $0x3;
	_ =	sdelay $0x1  }
0x87: {  	(v2sf) =	vpush v1, $0x4;
	_ =	sdelay $0x1  }
0x88: {  	(v2sf) =	vpush v1, $0x5;
	_ =	sdelay $0x1  }
0x89: {  	(v2sf) =	vpush v1, $0x6;
	_ =	sdelay $0x1  }
0x8a: {  	(v2sf) =	vpush v1, $0x7;
	_ =	sdelay $0x1  }
0x8b: {  	s3 =	spop (v2sf);
	(v2sf) =	vpush v1, $0x8  }
0x8c: {  	s30 =	spop (v2sf)  }
0x8d: {  	(v2sf) =	vpush v1, $0x9;
	s0 =	sadd.f32 s30, s3  }
0x8e: {  	s30 =	spop (v2sf)  }
0x8f: {  	(v2sf) =	vpush v1, $0xA;
	s0 =	sadd.f32 s0, s30  }
0x90: {  	s30 =	spop (v2sf)  }
0x91: {  	(v2sf) =	vpush v1, $0xB;
	s0 =	sadd.f32 s0, s30  }
0x92: {  	s30 =	spop (v2sf)  }
0x93: {  	(v2sf) =	vpush v1, $0xC;
	s0 =	sadd.f32 s0, s30  }
0x94: {  	s30 =	spop (v2sf)  }
0x95: {  	(v2sf) =	vpush v1, $0xD;
	s0 =	sadd.f32 s0, s30  }
0x96: {  	s30 =	spop (v2sf)  }
0x97: {  	(v2sf) =	vpush v1, $0xE;
	s0 =	sadd.f32 s0, s30  }
0x98: {  	s30 =	spop (v2sf)  }
0x99: {  	(v2sf) =	vpush v1, $0xF;
	s0 =	sadd.f32 s0, s30  }
0x9a: {  	s30 =	spop (v2sf)  }
0x9b: {  	s0 =	sadd.f32 s0, s30  }
0x9c: {  	s30 =	spop (v2sf)  }
0x9d: {  	s0 =	sadd.f32 s0, s30  }
0x9e: {  	s30 =	spop (v2sf)  }
0x9f: {  	s0 =	sadd.f32 s0, s30  }
0xa0: {  	s30 =	spop (v2sf)  }
0xa1: {  	s0 =	sadd.f32 s0, s30  }
0xa2: {  	s30 =	spop (v2sf)  }
0xa3: {  	s0 =	sadd.f32 s0, s30  }
0xa4: {  	s30 =	spop (v2sf)  }
0xa5: {  	s0 =	sadd.f32 s0, s30  }
0xa6: {  	s30 =	spop (v2sf)  }
0xa7: {  	s0 =	sadd.f32 s0, s30  }
0xa8: {  	s30 =	spop (v2sf)  }
0xa9: {  	s0 =	sadd.f32 s0, s30;
	_ =	sdelay $0x1  }
0xaa: {  	s0 =	smul.f32 $3.052130340e-05, s0;
	_ =	sdelay $0x1  }
0xab: {  	v1 =	vmov s0  }
0xac: {  	v1 =	vadd.f32 $0.0e+00, v1;
	_ =	sdelay $0x1  }
0xad: {  	v1 =	vbroadcast v1, $0x0;
	_ =	sdelay $0x1  }
.Ltmp5:
0xae: {  	[tilespmem:$0xC80] =	vst v1;
	(pc) =	sbr.rel .LBB2_7-.Ltmp5, $4  }
0xaf: {  	[hbm4b:s7+s2] =	stream.linear.scatter [tilespmem:s29], [sflag:$0x2], $0x80, $0x38;
	[tilespmem:$0xE10] =	vst v63  }
0xb0: {  	_ =	swait.ge [sflag:s9], $0x80  }
0xb1: {  	[sflag:s9] =	ssyncset.done $0x0  }
0xb2: {  	[sflag:s9] =	ssyncadd.s32 $0xFFFFFF80  }
.LBB2_8:
0xb3: {  	_ =	sfence.sel $0x180000  }
0xb4: {  	[bflag:$0x0] =	sbarrier.arrive $0xFFFF  }
0xb5: {  	_ =	strace $0x90000047  }
0xb6: {  	[bflag:$0x2] =	sbarrier.arrive $0xFFFF  }
0xb7: {  	s0 =	rddreg [dreg:$0x2]  }
0xb8: {  	s0 =	sadd.s32 @!p0 $0x100000, s0  }
0xb9: {  	[sflag:s0] =	ssyncadd.tile.s32 @!p0 $0x1;
	_ =	shalt  }
.Lfunc_end2:
_tile_overlayer_lowered:
.L_overlay_start_2:
0xba: {  	(tag) =	ssettag $0x2  }
0xbb: {  	s0 =	rddreg [dreg:$0x0];
	s2 =	stileid.u32  }
0xbc: {  	s1 =	rddreg [dreg:$0x1];
	p0 =	sne.s32 s2, $0x0  }
0xbd: {  	s3 =	rddreg [dreg:$0x2];
	[bflag:$0x3] =	sbarrier.arrive $0xFFFF;
	s2 =	simm.s32 @!p0 $0x1C02  }
0xbe: {  	[timem:s3], [sflag:s2] =	dma.local @!p0 [hbm:s0], s1  }
0xbf: {  	s0 =	simm.s32 @!p0 $0x2  }
0xc0: {  	_ =	swait.ge @!p0 [sflag:s0], s1  }
0xc1: {  	s1 =	ssub.s32 @!p0 $0x0, s1;
	[sflag:s0] =	ssyncset.done @!p0 $0x0  }
0xc2: {  	[sflag:s0] =	ssyncadd.s32 @!p0 s1  }
0xc3: {  	[bflag:$0x3] =	sbarrier.arrive $0xFFFF  }
0xc4: {  	_ =	shalt  }

</sc_bundles>
